<compile_context>
chip_gen: v7x
topology: tpu7x:2x2x1
jax: 0.10.2.dev20260603
libtpu: 0.0.44.dev20260713+nightly
codegen_flags: <defaults>
</compile_context>

<pallas_src>
import functools

import jax
import jax.numpy as jnp
from jax import lax
from jax.experimental import pallas as pl
from jax.experimental.pallas import tpu as pltpu
from jax.experimental.pallas import tpu_sc as plsc

NC = 2
NS = 16
NW = NC * NS


def _sc_gather_bg_meta(node_flat, b_of_i, r32, m32, p32, bg_flat, meta_flat,
                       B, L, R, TPB):
    b_per_w = B // NW
    n_per_w = b_per_w * L
    c16 = n_per_w // 16

    mesh = plsc.VectorSubcoreMesh(core_axis_name="c", subcore_axis_name="s",
                                  num_cores=NC, num_subcores=NS)

    @functools.partial(
        pl.kernel,
        out_type=(jax.ShapeDtypeStruct((B * L,), jnp.float32),
                  jax.ShapeDtypeStruct((B * L,), jnp.int32)),
        mesh=mesh,
        compiler_params=pltpu.CompilerParams(needs_layout_passes=False),
        scratch_types=[
            pltpu.VMEM((n_per_w,), jnp.int32),
            pltpu.VMEM((n_per_w,), jnp.int32),
            pltpu.VMEM((b_per_w,), jnp.int32),
            pltpu.VMEM((b_per_w,), jnp.int32),
            pltpu.VMEM((b_per_w,), jnp.int32),
            pltpu.VMEM((b_per_w,), jnp.int32),
            pltpu.VMEM((b_per_w,), jnp.int32),
            pltpu.VMEM((b_per_w,), jnp.int32),
            pltpu.VMEM((n_per_w,), jnp.int32),
            pltpu.VMEM((n_per_w,), jnp.int32),
            pltpu.VMEM((n_per_w,), jnp.int32),
            pltpu.VMEM((n_per_w,), jnp.float32),
            pltpu.VMEM((n_per_w,), jnp.float32),
            pltpu.SemaphoreType.DMA,
        ],
    )
    def k(node_hbm, b_hbm, r_hbm, m_hbm, p_hbm, bg_hbm, meta_hbm,
          z1_hbm, pidx_hbm, b_v, node_v, r_v, m_v, p_v, bgb_v, mb_v, pb_v,
          bg_i, me_i, pe_i, bg_v, me_v, sem):
        wid = lax.axis_index("s") * NC + lax.axis_index("c")
        eb = pl.multiple_of(wid * b_per_w, 8)
        en = pl.multiple_of(wid * n_per_w, 8)

        pltpu.sync_copy(b_hbm, b_v)
        pltpu.sync_copy(node_hbm.at[pl.ds(en, n_per_w)], node_v)
        pltpu.sync_copy(r_hbm.at[pl.ds(eb, b_per_w)], r_v)
        pltpu.sync_copy(m_hbm.at[pl.ds(eb, b_per_w)], m_v)
        pltpu.sync_copy(p_hbm.at[pl.ds(eb, b_per_w)], p_v)

        def base_body(j, carry):
            off = pl.multiple_of(j * 16, 16)
            r16 = r_v[pl.ds(off, 16)]
            m16 = m_v[pl.ds(off, 16)]
            p16 = p_v[pl.ds(off, 16)]
            gm = m16 * R + r16
            gp = p16 * R + r16
            bgb_v[pl.ds(off, 16)] = (r16 >> 3) * TPB + (r16 & 7) * 128
            mb_v[pl.ds(off, 16)] = (gm >> 3) * TPB + (gm & 7) * 128
            pb_v[pl.ds(off, 16)] = (gp >> 3) * TPB + (gp & 7) * 128
            return carry
        lax.fori_loop(0, b_per_w // 16, base_body, 0)

        def idx_body(c, carry):
            off = pl.multiple_of(c * 16, 16)
            b16 = b_v[pl.ds(off, 16)]
            node16 = node_v[pl.ds(off, 16)]
            vphys = node16 + (node16 >> 7) * 896
            bgb = plsc.load_gather(bgb_v, [b16])
            mb = plsc.load_gather(mb_v, [b16])
            pb = plsc.load_gather(pb_v, [b16])
            bg_i[pl.ds(off, 16)] = bgb + vphys
            me_i[pl.ds(off, 16)] = mb + vphys
            pe_i[pl.ds(off, 16)] = pb + vphys
            return carry
        lax.fori_loop(0, c16, idx_body, 0)

        cps = [
            pltpu.async_copy(bg_hbm.at[bg_i], bg_v, sem),
            pltpu.async_copy(meta_hbm.at[me_i], me_v, sem),
            pltpu.async_copy(pe_i, pidx_hbm.at[pl.ds(en, n_per_w)], sem),
        ]
        for cp in cps:
            cp.wait()

        def sum_body(c, carry):
            off = pl.multiple_of(c * 16, 16)
            bg_v[pl.ds(off, 16)] = (bg_v[pl.ds(off, 16)]
                                    + me_v[pl.ds(off, 16)])
            return carry
        lax.fori_loop(0, c16, sum_body, 0)

        pltpu.sync_copy(bg_v, z1_hbm.at[pl.ds(en, n_per_w)])

    return k(node_flat, b_of_i, r32, m32, p32, bg_flat, meta_flat)


def _sc_gather_pers(z1, pidx, pers_flat, B, L):
    n_per_w = (B // NW) * L
    c16 = n_per_w // 16

    mesh = plsc.VectorSubcoreMesh(core_axis_name="c", subcore_axis_name="s",
                                  num_cores=NC, num_subcores=NS)

    @functools.partial(
        pl.kernel,
        out_type=jax.ShapeDtypeStruct((B * L,), jnp.float32),
        mesh=mesh,
        compiler_params=pltpu.CompilerParams(needs_layout_passes=False),
        scratch_types=[
            pltpu.VMEM((n_per_w,), jnp.int32),
            pltpu.VMEM((n_per_w,), jnp.float32),
            pltpu.VMEM((n_per_w,), jnp.float32),
            pltpu.SemaphoreType.DMA,
        ],
    )
    def k(z1_hbm, pidx_hbm, pers_hbm, out_hbm, pe_i, z1_v, pe_v, sem):
        wid = lax.axis_index("s") * NC + lax.axis_index("c")
        en = pl.multiple_of(wid * n_per_w, 8)

        pltpu.sync_copy(pidx_hbm.at[pl.ds(en, n_per_w)], pe_i)
        cps = [
            pltpu.async_copy(pers_hbm.at[pe_i], pe_v, sem),
            pltpu.async_copy(z1_hbm.at[pl.ds(en, n_per_w)], z1_v, sem),
        ]
        for cp in cps:
            cp.wait()

        def sum_body(c, carry):
            off = pl.multiple_of(c * 16, 16)
            z1_v[pl.ds(off, 16)] = (z1_v[pl.ds(off, 16)]
                                    + pe_v[pl.ds(off, 16)])
            return carry
        lax.fori_loop(0, c16, sum_body, 0)

        pltpu.sync_copy(z1_v, out_hbm.at[pl.ds(en, n_per_w)])

    return k(z1, pidx, pers_flat)


def _tc_logsigmoid_reduce(z, signs, paths, pad):
    B, L = z.shape
    blk = 1024

    def body(z_ref, s_ref, p_ref, o_ref):
        x = s_ref[...] * z_ref[...]
        lp = jnp.minimum(x, 0.0) - jnp.log1p(jnp.exp(-jnp.abs(x)))
        lp = jnp.where(p_ref[...] != pad, lp, 0.0)
        o_ref[...] = jnp.sum(lp, axis=1)

    return pl.pallas_call(
        body,
        grid=(B // blk,),
        in_specs=[
            pl.BlockSpec((blk, L), lambda i: (i, 0)),
            pl.BlockSpec((blk, L), lambda i: (i, 0)),
            pl.BlockSpec((blk, L), lambda i: (i, 0)),
        ],
        out_specs=pl.BlockSpec((blk,), lambda i: (i,)),
        out_shape=jax.ShapeDtypeStruct((B,), jnp.float32),
    )(z, signs, paths)


def _tile_major_flat(table2d):
    rows, V = table2d.shape
    vt = (V + 127) // 128
    padded = jnp.pad(table2d, ((0, 0), (0, vt * 128 - V)))
    y = padded.reshape(rows // 8, 8, vt, 128).transpose(0, 2, 1, 3)
    return y.reshape(-1)


def kernel(m_idx, p_idx, r_idx, node_paths, node_signs, eta_bg, eta_meta, eta_pers):
    B, L = node_paths.shape
    R, V = eta_bg.shape
    M = eta_meta.shape[0]
    P = eta_pers.shape[0]
    TPB = 8 * ((V + 127) // 128) * 128
    paths32 = node_paths.astype(jnp.int32)
    n_per_w = (B // NW) * L
    b_of_i = (jnp.arange(n_per_w, dtype=jnp.int32) // L).astype(jnp.int32)
    z1, pidx = _sc_gather_bg_meta(
        paths32.reshape(-1),
        b_of_i,
        r_idx.astype(jnp.int32),
        m_idx.astype(jnp.int32),
        p_idx.astype(jnp.int32),
        _tile_major_flat(eta_bg),
        _tile_major_flat(eta_meta.reshape(M * R, V)),
        B, L, R, TPB)
    z = _sc_gather_pers(z1, pidx, _tile_major_flat(eta_pers.reshape(P * R, V)),
                        B, L)
    return _tc_logsigmoid_reduce(z.reshape(B, L), node_signs, paths32, V - 1)

# --- scband reference (transcript-rebuilt; emitter-appended) ---
"""Pipeline reference for scband-hierarchical-sage-18193481466392 (READ-ONLY COPY).

The authoritative reference and input builder live on the scoring server;
editing this copy changes nothing except your own understanding.
"""

import jax, jax.numpy as jnp
import numpy as np

B = 16384
L = 20
M = 16
P = 64
R = 8
N_INTERNAL = 100000
PAD = N_INTERNAL


def setup_inputs(seed: int = 0) -> dict:
    key = jax.random.key(seed)
    ks = jax.random.split(key, 8)
    m_idx = jax.random.randint(ks[0], (B,), 0, M, dtype=jnp.int64 if jax.config.jax_enable_x64 else jnp.int32)
    p_idx = jax.random.randint(ks[1], (B,), 0, P, dtype=m_idx.dtype)
    r_idx = jax.random.randint(ks[2], (B,), 0, R, dtype=m_idx.dtype)
    node_paths = jax.random.randint(ks[3], (B, L), 0, N_INTERNAL + 1, dtype=m_idx.dtype)
    node_signs = jax.random.normal(ks[4], (B, L), dtype=jnp.float32)
    # learned parameters (nn.Parameter, init zeros in torch; small random here for nontrivial math)
    eta_bg = jax.random.normal(ks[5], (R, PAD + 1), dtype=jnp.float32) * 0.01
    eta_meta = jax.random.normal(ks[6], (M, R, PAD + 1), dtype=jnp.float32) * 0.01
    eta_pers = jax.random.normal(ks[7], (P, R, PAD + 1), dtype=jnp.float32) * 0.01
    return {
        "m_idx": m_idx,
        "p_idx": p_idx,
        "r_idx": r_idx,
        "node_paths": node_paths,
        "node_signs": node_signs,
        "eta_bg": eta_bg,
        "eta_meta": eta_meta,
        "eta_pers": eta_pers,
    }


def reference(m_idx, p_idx, r_idx, node_paths, node_signs, eta_bg, eta_meta, eta_pers):
    # expand per-example indices across the path dimension
    m_idx_exp = m_idx[:, None]  # broadcasts against node_paths [B, L]
    p_idx_exp = p_idx[:, None]
    r_idx_exp = r_idx[:, None]
    # gathers (embedding lookups) -> [B, L]
    bg = eta_bg[r_idx_exp, node_paths]
    meta = eta_meta[m_idx_exp, r_idx_exp, node_paths]
    pers = eta_pers[p_idx_exp, r_idx_exp, node_paths]
    logits = bg + meta + pers
    path_mask = (node_paths != PAD).astype(jnp.float32)
    log_probs = jax.nn.log_sigmoid(node_signs * logits) * path_mask
    word_log_probs = log_probs.sum(axis=1)
    return word_log_probs

if __name__ == "__main__":
    import jax
    _d = setup_inputs()
    print(jax.jit(kernel)(*tuple(_d.values())))

</pallas_src>

<mosaic_0001>
#map = affine_map<(d0, d1) -> (0)>
module attributes {stable_mosaic.version = 14 : i64} {
  func.func @k(%arg0: i32, %arg1: i32, %arg2: memref<327680xi32, #tpu.memory_space<hbm>>, %arg3: memref<10240xi32, #tpu.memory_space<hbm>>, %arg4: memref<16384xi32, #tpu.memory_space<hbm>>, %arg5: memref<16384xi32, #tpu.memory_space<hbm>>, %arg6: memref<16384xi32, #tpu.memory_space<hbm>>, %arg7: memref<800768xf32, #tpu.memory_space<hbm>>, %arg8: memref<12812288xf32, #tpu.memory_space<hbm>>, %arg9: memref<327680xf32, #tpu.memory_space<hbm>>, %arg10: memref<327680xi32, #tpu.memory_space<hbm>>, %arg11: memref<10240xi32, #tpu.memory_space<vmem>>, %arg12: memref<10240xi32, #tpu.memory_space<vmem>>, %arg13: memref<512xi32, #tpu.memory_space<vmem>>, %arg14: memref<512xi32, #tpu.memory_space<vmem>>, %arg15: memref<512xi32, #tpu.memory_space<vmem>>, %arg16: memref<512xi32, #tpu.memory_space<vmem>>, %arg17: memref<512xi32, #tpu.memory_space<vmem>>, %arg18: memref<512xi32, #tpu.memory_space<vmem>>, %arg19: memref<10240xi32, #tpu.memory_space<vmem>>, %arg20: memref<10240xi32, #tpu.memory_space<vmem>>, %arg21: memref<10240xi32, #tpu.memory_space<vmem>>, %arg22: memref<10240xf32, #tpu.memory_space<vmem>>, %arg23: memref<10240xf32, #tpu.memory_space<vmem>>, %arg24: memref<!tpu.dma_semaphore, #tpu.memory_space<semaphore_mem>>) attributes {dimension_semantics = [#tpu.dimension_semantics<core_parallel>, #tpu.dimension_semantics<subcore_parallel>], iteration_bounds = array<i64: 2, 16>, scalar_prefetch = 0 : i64, scratch_operands = 14 : i64, tpu.core_type = #tpu.core_type<sc_vector_subcore>, window_params = [{transform_indices = #map}, {transform_indices = #map}, {transform_indices = #map}, {transform_indices = #map}, {transform_indices = #map}, {transform_indices = #map}, {transform_indices = #map}, {transform_indices = #map}, {transform_indices = #map}]} {
    %mul3A = arith.constant 2 : i32
    %mul3A_0 = arith.muli %arg1, %mul3A : i32
    %add3A = arith.addi %mul3A_0, %arg0 : i32
    %mul3A_1 = arith.constant 512 : i32
    %mul3A_2 = arith.muli %add3A, %mul3A_1 : i32
    %multiple_of3A = tpu.assume_multiple %mul3A_2, 8 : i32
    %mul3A_3 = arith.constant 10240 : i32
    %mul3A_4 = arith.muli %add3A, %mul3A_3 : i32
    %multiple_of3A_5 = tpu.assume_multiple %mul3A_4, 8 : i32
    "tpu.region"() ({
      %run_scoped3A = tpu.sem_alloc : memref<!tpu.dma_semaphore, #tpu.memory_space<semaphore_mem>>
      tpu.enqueue_dma source(%arg3 : memref<10240xi32, #tpu.memory_space<hbm>>) target(%arg11 : memref<10240xi32, #tpu.memory_space<vmem>>) target_semaphore(%run_scoped3A : memref<!tpu.dma_semaphore, #tpu.memory_space<semaphore_mem>>)
      tpu.wait_dma2 semaphore(%run_scoped3A : memref<!tpu.dma_semaphore, #tpu.memory_space<semaphore_mem>>) src(%arg3 : memref<10240xi32, #tpu.memory_space<hbm>>) dst(%arg11 : memref<10240xi32, #tpu.memory_space<vmem>>)
      tpu.yield
    }) : () -> ()
    "tpu.region"() ({
      %run_scoped3A = tpu.sem_alloc : memref<!tpu.dma_semaphore, #tpu.memory_space<semaphore_mem>>
      %dma_start3A_33 = tpu.memref_slice %arg2[%multiple_of3A_5] : memref<327680xi32, #tpu.memory_space<hbm>> -> memref<10240xi32, #tpu.memory_space<hbm>>
      %dma_start3A_34 = tpu.memref_slice %arg2[%multiple_of3A_5] : memref<327680xi32, #tpu.memory_space<hbm>> -> memref<10240xi32, #tpu.memory_space<hbm>>
      tpu.enqueue_dma source(%dma_start3A_34 : memref<10240xi32, #tpu.memory_space<hbm>>) target(%arg12 : memref<10240xi32, #tpu.memory_space<vmem>>) target_semaphore(%run_scoped3A : memref<!tpu.dma_semaphore, #tpu.memory_space<semaphore_mem>>)
      %dma_wait3A_35 = tpu.memref_slice %arg2[%multiple_of3A_5] : memref<327680xi32, #tpu.memory_space<hbm>> -> memref<10240xi32, #tpu.memory_space<hbm>>
      %dma_wait3A_36 = tpu.memref_slice %arg2[%multiple_of3A_5] : memref<327680xi32, #tpu.memory_space<hbm>> -> memref<10240xi32, #tpu.memory_space<hbm>>
      tpu.wait_dma2 semaphore(%run_scoped3A : memref<!tpu.dma_semaphore, #tpu.memory_space<semaphore_mem>>) src(%dma_wait3A_36 : memref<10240xi32, #tpu.memory_space<hbm>>) dst(%arg12 : memref<10240xi32, #tpu.memory_space<vmem>>)
      tpu.yield
    }) : () -> ()
    "tpu.region"() ({
      %run_scoped3A = tpu.sem_alloc : memref<!tpu.dma_semaphore, #tpu.memory_space<semaphore_mem>>
      %dma_start3A_33 = tpu.memref_slice %arg4[%multiple_of3A] : memref<16384xi32, #tpu.memory_space<hbm>> -> memref<512xi32, #tpu.memory_space<hbm>>
      %dma_start3A_34 = tpu.memref_slice %arg4[%multiple_of3A] : memref<16384xi32, #tpu.memory_space<hbm>> -> memref<512xi32, #tpu.memory_space<hbm>>
      tpu.enqueue_dma source(%dma_start3A_34 : memref<512xi32, #tpu.memory_space<hbm>>) target(%arg13 : memref<512xi32, #tpu.memory_space<vmem>>) target_semaphore(%run_scoped3A : memref<!tpu.dma_semaphore, #tpu.memory_space<semaphore_mem>>)
      %dma_wait3A_35 = tpu.memref_slice %arg4[%multiple_of3A] : memref<16384xi32, #tpu.memory_space<hbm>> -> memref<512xi32, #tpu.memory_space<hbm>>
      %dma_wait3A_36 = tpu.memref_slice %arg4[%multiple_of3A] : memref<16384xi32, #tpu.memory_space<hbm>> -> memref<512xi32, #tpu.memory_space<hbm>>
      tpu.wait_dma2 semaphore(%run_scoped3A : memref<!tpu.dma_semaphore, #tpu.memory_space<semaphore_mem>>) src(%dma_wait3A_36 : memref<512xi32, #tpu.memory_space<hbm>>) dst(%arg13 : memref<512xi32, #tpu.memory_space<vmem>>)
      tpu.yield
    }) : () -> ()
    "tpu.region"() ({
      %run_scoped3A = tpu.sem_alloc : memref<!tpu.dma_semaphore, #tpu.memory_space<semaphore_mem>>
      %dma_start3A_33 = tpu.memref_slice %arg5[%multiple_of3A] : memref<16384xi32, #tpu.memory_space<hbm>> -> memref<512xi32, #tpu.memory_space<hbm>>
      %dma_start3A_34 = tpu.memref_slice %arg5[%multiple_of3A] : memref<16384xi32, #tpu.memory_space<hbm>> -> memref<512xi32, #tpu.memory_space<hbm>>
      tpu.enqueue_dma source(%dma_start3A_34 : memref<512xi32, #tpu.memory_space<hbm>>) target(%arg14 : memref<512xi32, #tpu.memory_space<vmem>>) target_semaphore(%run_scoped3A : memref<!tpu.dma_semaphore, #tpu.memory_space<semaphore_mem>>)
      %dma_wait3A_35 = tpu.memref_slice %arg5[%multiple_of3A] : memref<16384xi32, #tpu.memory_space<hbm>> -> memref<512xi32, #tpu.memory_space<hbm>>
      %dma_wait3A_36 = tpu.memref_slice %arg5[%multiple_of3A] : memref<16384xi32, #tpu.memory_space<hbm>> -> memref<512xi32, #tpu.memory_space<hbm>>
      tpu.wait_dma2 semaphore(%run_scoped3A : memref<!tpu.dma_semaphore, #tpu.memory_space<semaphore_mem>>) src(%dma_wait3A_36 : memref<512xi32, #tpu.memory_space<hbm>>) dst(%arg14 : memref<512xi32, #tpu.memory_space<vmem>>)
      tpu.yield
    }) : () -> ()
    "tpu.region"() ({
      %run_scoped3A = tpu.sem_alloc : memref<!tpu.dma_semaphore, #tpu.memory_space<semaphore_mem>>
      %dma_start3A_33 = tpu.memref_slice %arg6[%multiple_of3A] : memref<16384xi32, #tpu.memory_space<hbm>> -> memref<512xi32, #tpu.memory_space<hbm>>
      %dma_start3A_34 = tpu.memref_slice %arg6[%multiple_of3A] : memref<16384xi32, #tpu.memory_space<hbm>> -> memref<512xi32, #tpu.memory_space<hbm>>
      tpu.enqueue_dma source(%dma_start3A_34 : memref<512xi32, #tpu.memory_space<hbm>>) target(%arg15 : memref<512xi32, #tpu.memory_space<vmem>>) target_semaphore(%run_scoped3A : memref<!tpu.dma_semaphore, #tpu.memory_space<semaphore_mem>>)
      %dma_wait3A_35 = tpu.memref_slice %arg6[%multiple_of3A] : memref<16384xi32, #tpu.memory_space<hbm>> -> memref<512xi32, #tpu.memory_space<hbm>>
      %dma_wait3A_36 = tpu.memref_slice %arg6[%multiple_of3A] : memref<16384xi32, #tpu.memory_space<hbm>> -> memref<512xi32, #tpu.memory_space<hbm>>
      tpu.wait_dma2 semaphore(%run_scoped3A : memref<!tpu.dma_semaphore, #tpu.memory_space<semaphore_mem>>) src(%dma_wait3A_36 : memref<512xi32, #tpu.memory_space<hbm>>) dst(%arg15 : memref<512xi32, #tpu.memory_space<vmem>>)
      tpu.yield
    }) : () -> ()
    %scan3A = arith.constant 0 : i32
    %scan3A_6 = arith.constant 0 : i32
    %scan3A_7 = arith.constant 32 : i32
    %scan3A_8 = arith.addi %scan3A_6, %scan3A_7 : i32
    %scan3A_9 = arith.constant 1 : i32
    scf.for %scan3A_33 = %scan3A_6 to %scan3A_8 step %scan3A_9  : i32 {
      %mul3A_34 = arith.constant 16 : i32
      %mul3A_35 = arith.muli %scan3A_33, %mul3A_34 : i32
      %multiple_of3A_36 = tpu.assume_multiple %mul3A_35, 16 : i32
      %get3A = arith.index_cast %multiple_of3A_36 : i32 to index
      %get3A_37 = tpu.vector_load %arg13[%get3A] {strides = array<i32>} : memref<512xi32, #tpu.memory_space<vmem>>, vector<16xi32>,
      %get3A_38 = arith.index_cast %multiple_of3A_36 : i32 to index
      %get3A_39 = tpu.vector_load %arg14[%get3A_38] {strides = array<i32>} : memref<512xi32, #tpu.memory_space<vmem>>, vector<16xi32>,
      %get3A_40 = arith.index_cast %multiple_of3A_36 : i32 to index
      %get3A_41 = tpu.vector_load %arg15[%get3A_40] {strides = array<i32>} : memref<512xi32, #tpu.memory_space<vmem>>, vector<16xi32>,
      %mul3A_42 = arith.constant 8 : i32
      %mul3A_43 = vector.broadcast %mul3A_42 : i32 to vector<16xi32>
      %mul3A_44 = arith.muli %get3A_39, %mul3A_43 : vector<16xi32>
      %add3A_45 = arith.addi %mul3A_44, %get3A_37 : vector<16xi32>
      %mul3A_46 = arith.constant 8 : i32
      %mul3A_47 = vector.broadcast %mul3A_46 : i32 to vector<16xi32>
      %mul3A_48 = arith.muli %get3A_41, %mul3A_47 : vector<16xi32>
      %add3A_49 = arith.addi %mul3A_48, %get3A_37 : vector<16xi32>
      %shift_right_arithmetic3A = arith.constant 3 : i32
      %shift_right_arithmetic3A_50 = vector.broadcast %shift_right_arithmetic3A : i32 to vector<16xi32>
      %shift_right_arithmetic3A_51 = arith.shrsi %get3A_37, %shift_right_arithmetic3A_50 : vector<16xi32>
      %mul3A_52 = arith.constant 800768 : i32
      %mul3A_53 = vector.broadcast %mul3A_52 : i32 to vector<16xi32>
      %mul3A_54 = arith.muli %shift_right_arithmetic3A_51, %mul3A_53 : vector<16xi32>
      %and3A = arith.constant 7 : i32
      %and3A_55 = vector.broadcast %and3A : i32 to vector<16xi32>
      %and3A_56 = arith.andi %get3A_37, %and3A_55 : vector<16xi32>
      %mul3A_57 = arith.constant 128 : i32
      %mul3A_58 = vector.broadcast %mul3A_57 : i32 to vector<16xi32>
      %mul3A_59 = arith.muli %and3A_56, %mul3A_58 : vector<16xi32>
      %add3A_60 = arith.addi %mul3A_54, %mul3A_59 : vector<16xi32>
      %swap3A = arith.index_cast %multiple_of3A_36 : i32 to index
      %swap3A_61 = tpu.vector_load %arg16[%swap3A] {strides = array<i32>} : memref<512xi32, #tpu.memory_space<vmem>>, vector<16xi32>,
      tpu.vector_store %arg16[%swap3A], %add3A_60 {strides = array<i32>} : memref<512xi32, #tpu.memory_space<vmem>>, vector<16xi32>,
      %shift_right_arithmetic3A_62 = arith.constant 3 : i32
      %shift_right_arithmetic3A_63 = vector.broadcast %shift_right_arithmetic3A_62 : i32 to vector<16xi32>
      %shift_right_arithmetic3A_64 = arith.shrsi %add3A_45, %shift_right_arithmetic3A_63 : vector<16xi32>
      %mul3A_65 = arith.constant 800768 : i32
      %mul3A_66 = vector.broadcast %mul3A_65 : i32 to vector<16xi32>
      %mul3A_67 = arith.muli %shift_right_arithmetic3A_64, %mul3A_66 : vector<16xi32>
      %and3A_68 = arith.constant 7 : i32
      %and3A_69 = vector.broadcast %and3A_68 : i32 to vector<16xi32>
      %and3A_70 = arith.andi %add3A_45, %and3A_69 : vector<16xi32>
      %mul3A_71 = arith.constant 128 : i32
      %mul3A_72 = vector.broadcast %mul3A_71 : i32 to vector<16xi32>
      %mul3A_73 = arith.muli %and3A_70, %mul3A_72 : vector<16xi32>
      %add3A_74 = arith.addi %mul3A_67, %mul3A_73 : vector<16xi32>
      %swap3A_75 = arith.index_cast %multiple_of3A_36 : i32 to index
      %swap3A_76 = tpu.vector_load %arg17[%swap3A_75] {strides = array<i32>} : memref<512xi32, #tpu.memory_space<vmem>>, vector<16xi32>,
      tpu.vector_store %arg17[%swap3A_75], %add3A_74 {strides = array<i32>} : memref<512xi32, #tpu.memory_space<vmem>>, vector<16xi32>,
      %shift_right_arithmetic3A_77 = arith.constant 3 : i32
      %shift_right_arithmetic3A_78 = vector.broadcast %shift_right_arithmetic3A_77 : i32 to vector<16xi32>
      %shift_right_arithmetic3A_79 = arith.shrsi %add3A_49, %shift_right_arithmetic3A_78 : vector<16xi32>
      %mul3A_80 = arith.constant 800768 : i32
      %mul3A_81 = vector.broadcast %mul3A_80 : i32 to vector<16xi32>
      %mul3A_82 = arith.muli %shift_right_arithmetic3A_79, %mul3A_81 : vector<16xi32>
      %and3A_83 = arith.constant 7 : i32
      %and3A_84 = vector.broadcast %and3A_83 : i32 to vector<16xi32>
      %and3A_85 = arith.andi %add3A_49, %and3A_84 : vector<16xi32>
      %mul3A_86 = arith.constant 128 : i32
      %mul3A_87 = vector.broadcast %mul3A_86 : i32 to vector<16xi32>
      %mul3A_88 = arith.muli %and3A_85, %mul3A_87 : vector<16xi32>
      %add3A_89 = arith.addi %mul3A_82, %mul3A_88 : vector<16xi32>
      %swap3A_90 = arith.index_cast %multiple_of3A_36 : i32 to index
      %swap3A_91 = tpu.vector_load %arg18[%swap3A_90] {strides = array<i32>} : memref<512xi32, #tpu.memory_space<vmem>>, vector<16xi32>,
      tpu.vector_store %arg18[%swap3A_90], %add3A_89 {strides = array<i32>} : memref<512xi32, #tpu.memory_space<vmem>>, vector<16xi32>,
    }
    %scan3A_10 = arith.constant 32 : i32
    %scan3A_11 = arith.constant 0 : i32
    %scan3A_12 = arith.constant 0 : i32
    %scan3A_13 = arith.constant 640 : i32
    %scan3A_14 = arith.addi %scan3A_12, %scan3A_13 : i32
    %scan3A_15 = arith.constant 1 : i32
    scf.for %scan3A_33 = %scan3A_12 to %scan3A_14 step %scan3A_15  : i32 {
      %mul3A_34 = arith.constant 16 : i32
      %mul3A_35 = arith.muli %scan3A_33, %mul3A_34 : i32
      %multiple_of3A_36 = tpu.assume_multiple %mul3A_35, 16 : i32
      %get3A = arith.index_cast %multiple_of3A_36 : i32 to index
      %get3A_37 = tpu.vector_load %arg11[%get3A] {strides = array<i32>} : memref<10240xi32, #tpu.memory_space<vmem>>, vector<16xi32>,
      %get3A_38 = arith.index_cast %multiple_of3A_36 : i32 to index
      %get3A_39 = tpu.vector_load %arg12[%get3A_38] {strides = array<i32>} : memref<10240xi32, #tpu.memory_space<vmem>>, vector<16xi32>,
      %shift_right_arithmetic3A = arith.constant 7 : i32
      %shift_right_arithmetic3A_40 = vector.broadcast %shift_right_arithmetic3A : i32 to vector<16xi32>
      %shift_right_arithmetic3A_41 = arith.shrsi %get3A_39, %shift_right_arithmetic3A_40 : vector<16xi32>
      %mul3A_42 = arith.constant 896 : i32
      %mul3A_43 = vector.broadcast %mul3A_42 : i32 to vector<16xi32>
      %mul3A_44 = arith.muli %shift_right_arithmetic3A_41, %mul3A_43 : vector<16xi32>
      %add3A_45 = arith.addi %get3A_39, %mul3A_44 : vector<16xi32>
      %gather3A = tpu.vector_load_idx %arg16[%get3A_37] : memref<512xi32, #tpu.memory_space<vmem>>[vector<16xi32>], vector<16xi32>,
      %gather3A_46 = tpu.vector_load_idx %arg17[%get3A_37] : memref<512xi32, #tpu.memory_space<vmem>>[vector<16xi32>], vector<16xi32>,
      %gather3A_47 = tpu.vector_load_idx %arg18[%get3A_37] : memref<512xi32, #tpu.memory_space<vmem>>[vector<16xi32>], vector<16xi32>,
      %add3A_48 = arith.addi %gather3A, %add3A_45 : vector<16xi32>
      %swap3A = arith.index_cast %multiple_of3A_36 : i32 to index
      %swap3A_49 = tpu.vector_load %arg19[%swap3A] {strides = array<i32>} : memref<10240xi32, #tpu.memory_space<vmem>>, vector<16xi32>,
      tpu.vector_store %arg19[%swap3A], %add3A_48 {strides = array<i32>} : memref<10240xi32, #tpu.memory_space<vmem>>, vector<16xi32>,
      %add3A_50 = arith.addi %gather3A_46, %add3A_45 : vector<16xi32>
      %swap3A_51 = arith.index_cast %multiple_of3A_36 : i32 to index
      %swap3A_52 = tpu.vector_load %arg20[%swap3A_51] {strides = array<i32>} : memref<10240xi32, #tpu.memory_space<vmem>>, vector<16xi32>,
      tpu.vector_store %arg20[%swap3A_51], %add3A_50 {strides = array<i32>} : memref<10240xi32, #tpu.memory_space<vmem>>, vector<16xi32>,
      %add3A_53 = arith.addi %gather3A_47, %add3A_45 : vector<16xi32>
      %swap3A_54 = arith.index_cast %multiple_of3A_36 : i32 to index
      %swap3A_55 = tpu.vector_load %arg21[%swap3A_54] {strides = array<i32>} : memref<10240xi32, #tpu.memory_space<vmem>>, vector<16xi32>,
      tpu.vector_store %arg21[%swap3A_54], %add3A_53 {strides = array<i32>} : memref<10240xi32, #tpu.memory_space<vmem>>, vector<16xi32>,
    }
    %scan3A_16 = arith.constant 640 : i32
    %dma_start3A = arith.constant 0 : i32
    %dma_start3A_17 = tpu.memref_slice %arg7[%dma_start3A] : memref<800768xf32, #tpu.memory_space<hbm>> -> memref<800768xf32, #tpu.memory_space<hbm>>
    tpu.enqueue_indirect_dma source(%dma_start3A_17 : memref<800768xf32, #tpu.memory_space<hbm>>) target(%arg22 : memref<10240xf32, #tpu.memory_space<vmem>>) offsets(%arg19 : memref<10240xi32, #tpu.memory_space<vmem>>) semaphore(%arg24 : memref<!tpu.dma_semaphore, #tpu.memory_space<semaphore_mem>>)
    %dma_start3A_18 = arith.constant 0 : i32
    %dma_start3A_19 = tpu.memref_slice %arg8[%dma_start3A_18] : memref<12812288xf32, #tpu.memory_space<hbm>> -> memref<12812288xf32, #tpu.memory_space<hbm>>
    tpu.enqueue_indirect_dma source(%dma_start3A_19 : memref<12812288xf32, #tpu.memory_space<hbm>>) target(%arg23 : memref<10240xf32, #tpu.memory_space<vmem>>) offsets(%arg20 : memref<10240xi32, #tpu.memory_space<vmem>>) semaphore(%arg24 : memref<!tpu.dma_semaphore, #tpu.memory_space<semaphore_mem>>)
    %dma_start3A_20 = tpu.memref_slice %arg10[%multiple_of3A_5] : memref<327680xi32, #tpu.memory_space<hbm>> -> memref<10240xi32, #tpu.memory_space<hbm>>
    %dma_start3A_21 = tpu.memref_slice %arg10[%multiple_of3A_5] : memref<327680xi32, #tpu.memory_space<hbm>> -> memref<10240xi32, #tpu.memory_space<hbm>>
    tpu.enqueue_dma source(%arg21 : memref<10240xi32, #tpu.memory_space<vmem>>) target(%dma_start3A_21 : memref<10240xi32, #tpu.memory_space<hbm>>) target_semaphore(%arg24 : memref<!tpu.dma_semaphore, #tpu.memory_space<semaphore_mem>>)
    %dma_wait3A = arith.constant 0 : i32
    %dma_wait3A_22 = tpu.memref_slice %arg7[%dma_wait3A] : memref<800768xf32, #tpu.memory_space<hbm>> -> memref<800768xf32, #tpu.memory_space<hbm>>
    tpu.wait_indirect_dma semaphore(%arg24 : memref<!tpu.dma_semaphore, #tpu.memory_space<semaphore_mem>>) src(%dma_wait3A_22 : memref<800768xf32, #tpu.memory_space<hbm>>) dst(%arg22 : memref<10240xf32, #tpu.memory_space<vmem>>)
    %dma_wait3A_23 = arith.constant 0 : i32
    %dma_wait3A_24 = tpu.memref_slice %arg8[%dma_wait3A_23] : memref<12812288xf32, #tpu.memory_space<hbm>> -> memref<12812288xf32, #tpu.memory_space<hbm>>
    tpu.wait_indirect_dma semaphore(%arg24 : memref<!tpu.dma_semaphore, #tpu.memory_space<semaphore_mem>>) src(%dma_wait3A_24 : memref<12812288xf32, #tpu.memory_space<hbm>>) dst(%arg23 : memref<10240xf32, #tpu.memory_space<vmem>>)
    %dma_wait3A_25 = tpu.memref_slice %arg10[%multiple_of3A_5] : memref<327680xi32, #tpu.memory_space<hbm>> -> memref<10240xi32, #tpu.memory_space<hbm>>
    %dma_wait3A_26 = tpu.memref_slice %arg10[%multiple_of3A_5] : memref<327680xi32, #tpu.memory_space<hbm>> -> memref<10240xi32, #tpu.memory_space<hbm>>
    tpu.wait_dma2 semaphore(%arg24 : memref<!tpu.dma_semaphore, #tpu.memory_space<semaphore_mem>>) src(%arg21 : memref<10240xi32, #tpu.memory_space<vmem>>) dst(%dma_wait3A_26 : memref<10240xi32, #tpu.memory_space<hbm>>)
    %scan3A_27 = arith.constant 0 : i32
    %scan3A_28 = arith.constant 0 : i32
    %scan3A_29 = arith.constant 640 : i32
    %scan3A_30 = arith.addi %scan3A_28, %scan3A_29 : i32
    %scan3A_31 = arith.constant 1 : i32
    scf.for %scan3A_33 = %scan3A_28 to %scan3A_30 step %scan3A_31  : i32 {
      %mul3A_34 = arith.constant 16 : i32
      %mul3A_35 = arith.muli %scan3A_33, %mul3A_34 : i32
      %multiple_of3A_36 = tpu.assume_multiple %mul3A_35, 16 : i32
      %get3A = arith.index_cast %multiple_of3A_36 : i32 to index
      %get3A_37 = tpu.vector_load %arg22[%get3A] {strides = array<i32>} : memref<10240xf32, #tpu.memory_space<vmem>>, vector<16xf32>,
      %get3A_38 = arith.index_cast %multiple_of3A_36 : i32 to index
      %get3A_39 = tpu.vector_load %arg23[%get3A_38] {strides = array<i32>} : memref<10240xf32, #tpu.memory_space<vmem>>, vector<16xf32>,
      %add3A_40 = arith.addf %get3A_37, %get3A_39 : vector<16xf32>
      %swap3A = arith.index_cast %multiple_of3A_36 : i32 to index
      %swap3A_41 = tpu.vector_load %arg22[%swap3A] {strides = array<i32>} : memref<10240xf32, #tpu.memory_space<vmem>>, vector<16xf32>,
      tpu.vector_store %arg22[%swap3A], %add3A_40 {strides = array<i32>} : memref<10240xf32, #tpu.memory_space<vmem>>, vector<16xf32>,
    }
    %scan3A_32 = arith.constant 640 : i32
    "tpu.region"() ({
      %run_scoped3A = tpu.sem_alloc : memref<!tpu.dma_semaphore, #tpu.memory_space<semaphore_mem>>
      %dma_start3A_33 = tpu.memref_slice %arg9[%multiple_of3A_5] : memref<327680xf32, #tpu.memory_space<hbm>> -> memref<10240xf32, #tpu.memory_space<hbm>>
      %dma_start3A_34 = tpu.memref_slice %arg9[%multiple_of3A_5] : memref<327680xf32, #tpu.memory_space<hbm>> -> memref<10240xf32, #tpu.memory_space<hbm>>
      tpu.enqueue_dma source(%arg22 : memref<10240xf32, #tpu.memory_space<vmem>>) target(%dma_start3A_34 : memref<10240xf32, #tpu.memory_space<hbm>>) target_semaphore(%run_scoped3A : memref<!tpu.dma_semaphore, #tpu.memory_space<semaphore_mem>>)
      %dma_wait3A_35 = tpu.memref_slice %arg9[%multiple_of3A_5] : memref<327680xf32, #tpu.memory_space<hbm>> -> memref<10240xf32, #tpu.memory_space<hbm>>
      %dma_wait3A_36 = tpu.memref_slice %arg9[%multiple_of3A_5] : memref<327680xf32, #tpu.memory_space<hbm>> -> memref<10240xf32, #tpu.memory_space<hbm>>
      tpu.wait_dma2 semaphore(%run_scoped3A : memref<!tpu.dma_semaphore, #tpu.memory_space<semaphore_mem>>) src(%arg22 : memref<10240xf32, #tpu.memory_space<vmem>>) dst(%dma_wait3A_36 : memref<10240xf32, #tpu.memory_space<hbm>>)
      tpu.yield
    }) : () -> ()
    return
  }
}

#map = affine_map<(d0, d1) -> (0)>
module attributes {stable_mosaic.version = 14 : i64} {
  func.func @k(%arg0: i32, %arg1: i32, %arg2: memref<327680xf32, #tpu.memory_space<hbm>>, %arg3: memref<327680xi32, #tpu.memory_space<hbm>>, %arg4: memref<51249152xf32, #tpu.memory_space<hbm>>, %arg5: memref<327680xf32, #tpu.memory_space<hbm>>, %arg6: memref<10240xi32, #tpu.memory_space<vmem>>, %arg7: memref<10240xf32, #tpu.memory_space<vmem>>, %arg8: memref<10240xf32, #tpu.memory_space<vmem>>, %arg9: memref<!tpu.dma_semaphore, #tpu.memory_space<semaphore_mem>>) attributes {dimension_semantics = [#tpu.dimension_semantics<core_parallel>, #tpu.dimension_semantics<subcore_parallel>], iteration_bounds = array<i64: 2, 16>, scalar_prefetch = 0 : i64, scratch_operands = 4 : i64, tpu.core_type = #tpu.core_type<sc_vector_subcore>, window_params = [{transform_indices = #map}, {transform_indices = #map}, {transform_indices = #map}, {transform_indices = #map}]} {
    %mul3A = arith.constant 2 : i32
    %mul3A_0 = arith.muli %arg1, %mul3A : i32
    %add3A = arith.addi %mul3A_0, %arg0 : i32
    %mul3A_1 = arith.constant 10240 : i32
    %mul3A_2 = arith.muli %add3A, %mul3A_1 : i32
    %multiple_of3A = tpu.assume_multiple %mul3A_2, 8 : i32
    "tpu.region"() ({
      %run_scoped3A = tpu.sem_alloc : memref<!tpu.dma_semaphore, #tpu.memory_space<semaphore_mem>>
      %dma_start3A_14 = tpu.memref_slice %arg3[%multiple_of3A] : memref<327680xi32, #tpu.memory_space<hbm>> -> memref<10240xi32, #tpu.memory_space<hbm>>
      %dma_start3A_15 = tpu.memref_slice %arg3[%multiple_of3A] : memref<327680xi32, #tpu.memory_space<hbm>> -> memref<10240xi32, #tpu.memory_space<hbm>>
      tpu.enqueue_dma source(%dma_start3A_15 : memref<10240xi32, #tpu.memory_space<hbm>>) target(%arg6 : memref<10240xi32, #tpu.memory_space<vmem>>) target_semaphore(%run_scoped3A : memref<!tpu.dma_semaphore, #tpu.memory_space<semaphore_mem>>)
      %dma_wait3A_16 = tpu.memref_slice %arg3[%multiple_of3A] : memref<327680xi32, #tpu.memory_space<hbm>> -> memref<10240xi32, #tpu.memory_space<hbm>>
      %dma_wait3A_17 = tpu.memref_slice %arg3[%multiple_of3A] : memref<327680xi32, #tpu.memory_space<hbm>> -> memref<10240xi32, #tpu.memory_space<hbm>>
      tpu.wait_dma2 semaphore(%run_scoped3A : memref<!tpu.dma_semaphore, #tpu.memory_space<semaphore_mem>>) src(%dma_wait3A_17 : memref<10240xi32, #tpu.memory_space<hbm>>) dst(%arg6 : memref<10240xi32, #tpu.memory_space<vmem>>)
      tpu.yield
    }) : () -> ()
    %dma_start3A = arith.constant 0 : i32
    %dma_start3A_3 = tpu.memref_slice %arg4[%dma_start3A] : memref<51249152xf32, #tpu.memory_space<hbm>> -> memref<51249152xf32, #tpu.memory_space<hbm>>
    tpu.enqueue_indirect_dma source(%dma_start3A_3 : memref<51249152xf32, #tpu.memory_space<hbm>>) target(%arg8 : memref<10240xf32, #tpu.memory_space<vmem>>) offsets(%arg6 : memref<10240xi32, #tpu.memory_space<vmem>>) semaphore(%arg9 : memref<!tpu.dma_semaphore, #tpu.memory_space<semaphore_mem>>)
    %dma_start3A_4 = tpu.memref_slice %arg2[%multiple_of3A] : memref<327680xf32, #tpu.memory_space<hbm>> -> memref<10240xf32, #tpu.memory_space<hbm>>
    %dma_start3A_5 = tpu.memref_slice %arg2[%multiple_of3A] : memref<327680xf32, #tpu.memory_space<hbm>> -> memref<10240xf32, #tpu.memory_space<hbm>>
    tpu.enqueue_dma source(%dma_start3A_5 : memref<10240xf32, #tpu.memory_space<hbm>>) target(%arg7 : memref<10240xf32, #tpu.memory_space<vmem>>) target_semaphore(%arg9 : memref<!tpu.dma_semaphore, #tpu.memory_space<semaphore_mem>>)
    %dma_wait3A = arith.constant 0 : i32
    %dma_wait3A_6 = tpu.memref_slice %arg4[%dma_wait3A] : memref<51249152xf32, #tpu.memory_space<hbm>> -> memref<51249152xf32, #tpu.memory_space<hbm>>
    tpu.wait_indirect_dma semaphore(%arg9 : memref<!tpu.dma_semaphore, #tpu.memory_space<semaphore_mem>>) src(%dma_wait3A_6 : memref<51249152xf32, #tpu.memory_space<hbm>>) dst(%arg8 : memref<10240xf32, #tpu.memory_space<vmem>>)
    %dma_wait3A_7 = tpu.memref_slice %arg2[%multiple_of3A] : memref<327680xf32, #tpu.memory_space<hbm>> -> memref<10240xf32, #tpu.memory_space<hbm>>
    %dma_wait3A_8 = tpu.memref_slice %arg2[%multiple_of3A] : memref<327680xf32, #tpu.memory_space<hbm>> -> memref<10240xf32, #tpu.memory_space<hbm>>
    tpu.wait_dma2 semaphore(%arg9 : memref<!tpu.dma_semaphore, #tpu.memory_space<semaphore_mem>>) src(%dma_wait3A_8 : memref<10240xf32, #tpu.memory_space<hbm>>) dst(%arg7 : memref<10240xf32, #tpu.memory_space<vmem>>)
    %scan3A = arith.constant 0 : i32
    %scan3A_9 = arith.constant 0 : i32
    %scan3A_10 = arith.constant 640 : i32
    %scan3A_11 = arith.addi %scan3A_9, %scan3A_10 : i32
    %scan3A_12 = arith.constant 1 : i32
    scf.for %scan3A_14 = %scan3A_9 to %scan3A_11 step %scan3A_12  : i32 {
      %mul3A_15 = arith.constant 16 : i32
      %mul3A_16 = arith.muli %scan3A_14, %mul3A_15 : i32
      %multiple_of3A_17 = tpu.assume_multiple %mul3A_16, 16 : i32
      %get3A = arith.index_cast %multiple_of3A_17 : i32 to index
      %get3A_18 = tpu.vector_load %arg7[%get3A] {strides = array<i32>} : memref<10240xf32, #tpu.memory_space<vmem>>, vector<16xf32>,
      %get3A_19 = arith.index_cast %multiple_of3A_17 : i32 to index
      %get3A_20 = tpu.vector_load %arg8[%get3A_19] {strides = array<i32>} : memref<10240xf32, #tpu.memory_space<vmem>>, vector<16xf32>,
      %add3A_21 = arith.addf %get3A_18, %get3A_20 : vector<16xf32>
      %swap3A = arith.index_cast %multiple_of3A_17 : i32 to index
      %swap3A_22 = tpu.vector_load %arg7[%swap3A] {strides = array<i32>} : memref<10240xf32, #tpu.memory_space<vmem>>, vector<16xf32>,
      tpu.vector_store %arg7[%swap3A], %add3A_21 {strides = array<i32>} : memref<10240xf32, #tpu.memory_space<vmem>>, vector<16xf32>,
    }
    %scan3A_13 = arith.constant 640 : i32
    "tpu.region"() ({
      %run_scoped3A = tpu.sem_alloc : memref<!tpu.dma_semaphore, #tpu.memory_space<semaphore_mem>>
      %dma_start3A_14 = tpu.memref_slice %arg5[%multiple_of3A] : memref<327680xf32, #tpu.memory_space<hbm>> -> memref<10240xf32, #tpu.memory_space<hbm>>
      %dma_start3A_15 = tpu.memref_slice %arg5[%multiple_of3A] : memref<327680xf32, #tpu.memory_space<hbm>> -> memref<10240xf32, #tpu.memory_space<hbm>>
      tpu.enqueue_dma source(%arg7 : memref<10240xf32, #tpu.memory_space<vmem>>) target(%dma_start3A_15 : memref<10240xf32, #tpu.memory_space<hbm>>) target_semaphore(%run_scoped3A : memref<!tpu.dma_semaphore, #tpu.memory_space<semaphore_mem>>)
      %dma_wait3A_16 = tpu.memref_slice %arg5[%multiple_of3A] : memref<327680xf32, #tpu.memory_space<hbm>> -> memref<10240xf32, #tpu.memory_space<hbm>>
      %dma_wait3A_17 = tpu.memref_slice %arg5[%multiple_of3A] : memref<327680xf32, #tpu.memory_space<hbm>> -> memref<10240xf32, #tpu.memory_space<hbm>>
      tpu.wait_dma2 semaphore(%run_scoped3A : memref<!tpu.dma_semaphore, #tpu.memory_space<semaphore_mem>>) src(%arg7 : memref<10240xf32, #tpu.memory_space<vmem>>) dst(%dma_wait3A_17 : memref<10240xf32, #tpu.memory_space<hbm>>)
      tpu.yield
    }) : () -> ()
    return
  }
}

module attributes {stable_mosaic.version = 14 : i64} {
  func.func @body(%arg0: i32, %arg1: memref<1024x20xf32, #tpu.memory_space<vmem>>, %arg2: memref<1024x20xf32, #tpu.memory_space<vmem>>, %arg3: memref<1024x20xi32, #tpu.memory_space<vmem>>, %arg4: memref<1024xf32, #tpu.memory_space<vmem>>) attributes {dimension_semantics = [#tpu.dimension_semantics<arbitrary>], iteration_bounds = array<i64: 16>, scalar_prefetch = 0 : i64, scratch_operands = 0 : i64, tpu.core_type = #tpu.core_type<tc>, window_params = [{transform_indices = @transform_0, window_bounds = array<i64: 1024, 20>}, {transform_indices = @transform_1, window_bounds = array<i64: 1024, 20>}, {transform_indices = @transform_2, window_bounds = array<i64: 1024, 20>}, {transform_indices = @transform_3, window_bounds = array<i64: 1024>}]} {
    %get3A = arith.constant 0 : index
    %get3A_0 = arith.constant 0 : index
    %get3A_1 = vector.load %arg2[%get3A, %get3A_0] : memref<1024x20xf32, #tpu.memory_space<vmem>>, vector<1024x20xf32>
    %get3A_2 = arith.constant 0 : index
    %get3A_3 = arith.constant 0 : index
    %get3A_4 = vector.load %arg1[%get3A_2, %get3A_3] : memref<1024x20xf32, #tpu.memory_space<vmem>>, vector<1024x20xf32>
    %mul3A = arith.mulf %get3A_1, %get3A_4 : vector<1024x20xf32>
    %min3A = arith.constant 0.000000e+00 : f32
    %min3A_5 = vector.broadcast %min3A : f32 to vector<1024x20xf32>
    %min3A_6 = arith.minimumf %mul3A, %min3A_5 : vector<1024x20xf32>
    %abs3A = math.absf %mul3A : vector<1024x20xf32>
    %neg3A = arith.constant 0.000000e+00 : f32
    %neg3A_7 = vector.broadcast %neg3A : f32 to vector<1024x20xf32>
    %neg3A_8 = arith.subf %neg3A_7, %abs3A : vector<1024x20xf32>
    %exp3A = math.exp %neg3A_8 : vector<1024x20xf32>
    %log1p3A = math.log1p %exp3A : vector<1024x20xf32>
    %sub3A = arith.subf %min3A_6, %log1p3A : vector<1024x20xf32>
    %get3A_9 = arith.constant 0 : index
    %get3A_10 = arith.constant 0 : index
    %get3A_11 = vector.load %arg3[%get3A_9, %get3A_10] : memref<1024x20xi32, #tpu.memory_space<vmem>>, vector<1024x20xi32>
    %ne3A = arith.constant 100000 : i32
    %ne3A_12 = vector.broadcast %ne3A : i32 to vector<1024x20xi32>
    %ne3A_13 = arith.cmpi ne, %get3A_11, %ne3A_12 : vector<1024x20xi32>
    %jit3A = arith.constant 0.000000e+00 : f32
    %broadcast_in_dim3A = vector.broadcast %jit3A : f32 to vector<1024x20xf32>
    %select_n3A = arith.select %ne3A_13, %sub3A, %broadcast_in_dim3A : vector<1024x20xi1>, vector<1024x20xf32>
    %reduce_sum3A = arith.constant dense<0.000000e+00> : vector<1024xf32>
    %reduce_sum3A_14 = vector.multi_reduction <add>, %select_n3A, %reduce_sum3A [1] : vector<1024x20xf32> to vector<1024xf32>
    %swap3A = arith.constant 0 : index
    %swap3A_15 = vector.load %arg4[%swap3A] : memref<1024xf32, #tpu.memory_space<vmem>>, vector<1024xf32>
    tpu.vector_store %arg4[%swap3A], %reduce_sum3A_14 {strides = array<i32>} : memref<1024xf32, #tpu.memory_space<vmem>>, vector<1024xf32>,
    return
  }
  func.func @transform_0(%arg0: i32) -> (i32, i32) {
    %c0_i32 = arith.constant 0 : i32
    %c0_i32_0 = arith.constant 0 : i32
    return %arg0, %c0_i32 : i32, i32
  }
  func.func @transform_1(%arg0: i32) -> (i32, i32) {
    %c0_i32 = arith.constant 0 : i32
    %c0_i32_0 = arith.constant 0 : i32
    return %arg0, %c0_i32 : i32, i32
  }
  func.func @transform_2(%arg0: i32) -> (i32, i32) {
    %c0_i32 = arith.constant 0 : i32
    %c0_i32_0 = arith.constant 0 : i32
    return %arg0, %c0_i32 : i32, i32
  }
  func.func @transform_3(%arg0: i32) -> i32 {
    %c0_i32 = arith.constant 0 : i32
    return %arg0 : i32
  }
}

</mosaic_0001>

<sc_bundles>
// kernel: kernel.5.cloned.1.call-start
scs
__scs_entry_jumppad:
0x0: {  	(pc) =	sbr.rel $0x88, $3  }
0x1: {  	(tag) =	ssettag $0x0;
	lr =	simm.s32 $0x1  }
0x2: {  	[smem:$0x3F99] =	sst lr;
	_ =	strace $0xD0000000  }
0x3: {  	_ = 	snop  }
0x4: {  	_ = 	snop  }
0x5: {  	_ = 	snop  }
0x6: {  	_ = 	snop  }
0x7: {  	_ = 	snop  }
__scs_overlays_trampoline_lowered:
0x8: {  	[smem:$0x3FA8] =	sst s0  }
0x9: {  	[smem:$0x3FA9] =	sst s1  }
0xa: {  	[smem:$0x3FAA] =	sst s2  }
0xb: {  	[smem:$0x3FAB] =	sst s3  }
0xc: {  	[smem:$0x3FAC] =	sst s4  }
0xd: {  	[smem:$0x3FAD] =	sst s5  }
0xe: {  	[smem:$0x3FAE] =	sst s6  }
0xf: {  	[smem:$0x3FAF] =	sst s7  }
0x10: {  	[smem:$0x3FB0] =	sst s8  }
0x11: {  	[smem:$0x3FB1] =	sst s9;
	s0 =	simm.s32 @!p0 $0x0  }
0x12: {  	s1 =	sld [smem:$0x3F97];
	s0 =	simm.s32 @p0 $0x1  }
0x13: {  	[smem:$0x3FB2] =	sst s0;
	s0 =	simm.s32 @!p1 $0x0  }
0x14: {  	s2 =	sld [smem:$0x3F96];
	s0 =	simm.s32 @p1 $0x1  }
0x15: {  	[smem:$0x3FB3] =	sst s0;
	s0 =	simm.s32 @!p2 $0x0  }
0x16: {  	s3 =	sld [smem:$0x3FDB];
	s0 =	simm.s32 @p2 $0x1  }
0x17: {  	s4 =	simm.s32 $0x1BF5;
	[smem:$0x3FB5] =	sst s0  }
0x18: {  	s0 =	sld [smem:$0x3F98];
	_ =	swait.ge [sflag:s4], $0x0  }
0x19: {  	s7 =	sld [smem:$0x3F99]  }
0x1a: {  	s8 =	sadd.s32 $0xFFFFE003, lr  }
0x1b: {  	s9 =	sadd.s32 $0xFFFFFEF7, lr;
	s5 =	simm.s32 $0xFFFFFFFF;
	p2 =	slt.u32 s8, $0xFFFFF086  }
0x1c: {  	p1 =	slt.u32 s9, $0xF7A;
	s5 =	simm.s32 @!p2 $0x0  }
0x1d: {  	s5 =	simm.s32 @p1 $0x1;
	p0 =	seq.s32 s7, s2  }
0x1e: {  	s7 =	smul.u32 @!p0 $0xF7A, s2;
	p2 =	seq.s32 @!p0 s5, $0x0  }
0x1f: {  	s9 =	smul.u32 $0xF7A, s1;
	s8 =	simm.s32 @!p0 $0x1BF5;
	p2 =	por !p2, p0  }
0x20: {  	[sflag:s8] =	ssyncset.s32 @!p0 $0xFFFFF086;
	s6 =	sadd.s32 @!p0 s3, s7;
	s7 =	simm.s32 @!p0 $0x108  }
0x21: {  	s3 =	sadd.s32 s3, s9;
	s6 =	sadd.s32 @!p0 $0x88, s6;
	s7 =	simm.s32 @p2 $0x1082  }
0x22: {  	[simem:s7], [sflag:s8] =	dma.local @!p0 [hbm:s6], $0xF7A  }
0x23: {  	s9 =	sor.u32 $0xD0000000, s2;
	s6 =	simm.s32 $0x108;
	_ =	swait.ge @!p0 [sflag:s8], $0x0  }
0x24: {  	s3 =	sadd.s32 $0x88, s3;
	s6 =	simm.s32 @!p1 $0x1082;
	[sflag:s4] =	ssyncset.s32 $0xFFFFF086  }
0x25: {  	[simem:s6], [sflag:s4] =	dma.local [hbm:s3], $0xF7A  }
0x26: {  	[smem:$0x3F99] =	sst s1;
	(tag) =	ssettag s2;
	_ =	strace s9  }
0x27: {  	s1 =	sld [smem:$0x3FA9]  }
0x28: {  	s2 =	sld [smem:$0x3FAA]  }
0x29: {  	s4 =	sld [smem:$0x3FAC]  }
0x2a: {  	p0 =	seq.s32 s5, $0x0;
	s5 =	sld [smem:$0x3FAD]  }
0x2b: {  	s6 =	sld [smem:$0x3FAE]  }
0x2c: {  	s7 =	sld [smem:$0x3FAF]  }
0x2d: {  	s3 =	simm.s32 $0x108;
	s8 =	sld [smem:$0x3FB0]  }
0x2e: {  	s3 =	simm.s32 @!p0 $0x1082;
	s9 =	sld [smem:$0x3FB1]  }
0x2f: {  	lr =	sadd.s32 s0, s3;
	s0 =	sld [smem:$0x3FA8]  }
0x30: {  	s3 =	sld [smem:$0x3FAB]  }
0x31: {  	[smem:$0x3FB4] =	sst s10  }
0x32: {  	s10 =	sld [smem:$0x3FB2];
	_ =	sdelay $0x3  }
0x33: {  	p0 =	seq.s32 s10, $0x1;
	s10 =	sld [smem:$0x3FB4];
	_ =	sdelay $0x3  }
0x34: {  	[smem:$0x3FB4] =	sst s10  }
0x35: {  	s10 =	sld [smem:$0x3FB3];
	_ =	sdelay $0x3  }
0x36: {  	p1 =	seq.s32 s10, $0x1;
	s10 =	sld [smem:$0x3FB4];
	_ =	sdelay $0x3  }
0x37: {  	[smem:$0x3FB4] =	sst s10  }
0x38: {  	s10 =	sld [smem:$0x3FB5]  }
0x39: {  	_ = 	snop;
	(pc) =	sbr.ind lr, $3  }
0x3a: {  	_ = 	snop  }
0x3b: {  	_ = 	snop  }
0x3c: {  	p2 =	seq.s32 s10, $0x1;
	s10 =	sld [smem:$0x3FB4]  }
0x3d: {  	_ =	shalt  }
0x3e: {  	_ =	shalt  }
0x3f: {  	_ =	shalt  }
0x40: {  	_ =	shalt  }
0x41: {  	_ =	shalt  }
0x42: {  	_ =	shalt  }
0x43: {  	_ =	shalt  }
0x44: {  	_ =	shalt  }
0x45: {  	_ =	shalt  }
0x46: {  	_ =	shalt  }
0x47: {  	_ =	shalt  }
0x48: {  	_ =	shalt  }
0x49: {  	_ =	shalt  }
0x4a: {  	_ =	shalt  }
0x4b: {  	_ =	shalt  }
0x4c: {  	_ =	shalt  }
0x4d: {  	_ =	shalt  }
0x4e: {  	_ =	shalt  }
0x4f: {  	_ =	shalt  }
0x50: {  	_ =	shalt  }
0x51: {  	_ =	shalt  }
0x52: {  	_ =	shalt  }
0x53: {  	_ =	shalt  }
0x54: {  	_ =	shalt  }
0x55: {  	_ =	shalt  }
0x56: {  	_ =	shalt  }
0x57: {  	_ =	shalt  }
0x58: {  	_ =	shalt  }
0x59: {  	_ =	shalt  }
0x5a: {  	_ =	shalt  }
0x5b: {  	_ =	shalt  }
0x5c: {  	_ =	shalt  }
0x5d: {  	_ =	shalt  }
0x5e: {  	_ =	shalt  }
0x5f: {  	_ =	shalt  }
0x60: {  	_ =	shalt  }
0x61: {  	_ =	shalt  }
0x62: {  	_ =	shalt  }
0x63: {  	_ =	shalt  }
0x64: {  	_ =	shalt  }
0x65: {  	_ =	shalt  }
0x66: {  	_ =	shalt  }
0x67: {  	_ =	shalt  }
0x68: {  	_ =	shalt  }
0x69: {  	_ =	shalt  }
0x6a: {  	_ =	shalt  }
0x6b: {  	_ =	shalt  }
0x6c: {  	_ =	shalt  }
0x6d: {  	_ =	shalt  }
0x6e: {  	_ =	shalt  }
0x6f: {  	_ =	shalt  }
0x70: {  	_ =	shalt  }
0x71: {  	_ =	shalt  }
0x72: {  	_ =	shalt  }
0x73: {  	_ =	shalt  }
0x74: {  	_ =	shalt  }
0x75: {  	_ =	shalt  }
0x76: {  	_ =	shalt  }
0x77: {  	_ =	shalt  }
0x78: {  	_ =	shalt  }
0x79: {  	_ =	shalt  }
0x7a: {  	_ =	shalt  }
0x7b: {  	_ =	shalt  }
0x7c: {  	_ =	shalt  }
0x7d: {  	_ =	shalt  }
0x7e: {  	_ =	shalt  }
0x7f: {  	_ =	shalt  }
0x80: {  	_ =	shalt  }
0x81: {  	_ =	shalt  }
0x82: {  	_ =	shalt  }
0x83: {  	_ =	shalt  }
0x84: {  	_ =	shalt  }
0x85: {  	_ =	shalt  }
0x86: {  	_ =	shalt  }
0x87: {  	_ =	shalt  }
.Lfunc_end0:
.L_simem_size_0:
called_computation_lowered:
.L_overlay_start_0:
0x88: {  	s2 =	sld [smem:$0x3FD9]  }
0x89: {  	s3 =	sld [smem:$0x3FFE];
	_ =	sdelay $0x1  }
0x8a: {  	s1 =	srdreg.scid  }
0x8b: {  	s0 =	sand.u32 $0x1, s1  }
0x8c: {  	s17 =	sshll.u32 s0, $0xA;
	s2 =	sadd.s32 s3, s2  }
0x8d: {  	s2 =	sadd.s32 s2, s17  }
0x8e: {  	[smem:$0x3FC0] =	sst s2  }
0x8f: {  	_ = 	snop  }
0x90: {  	s2 =	sld [smem:$0x3FC9]  }
0x91: {  	s18 =	sld [smem:$0x3FC8]  }
0x92: {  	s4 =	sld [smem:$0x3FC7]  }
0x93: {  	s5 =	sld [smem:$0x3FD0];
	(tm) =	ssettm $0x1  }
0x94: {  	s6 =	sld [smem:$0x3FFB];
	_ =	sdelay $0x3  }
0x95: {  	_ =	strace s6  }
0x96: {  	s6 =	sld [smem:$0x3FFC];
	_ =	sdelay $0x3  }
0x97: {  	_ =	strace s6  }
0x98: {  	s6 =	sld [smem:$0x3FFD];
	_ =	sdelay $0x3  }
0x99: {  	_ =	strace s6  }
0x9a: {  	_ =	strace $0x8FFFFFFF  }
0x9b: {  	s19 =	sld [smem:$0x3FDB];
	_ =	sdelay $0x1  }
0x9c: {  	s7 =	simm.s32 $_scs_section_size  }
0x9d: {  	s8 =	simm.s32 $_size__tile_overlayer_lowered;
	s9 =	simm.s32 $_tile_overlayer_lowered  }
0x9e: {  	s22 =	simm.s32 $0x1BFF;
	s21 =	sshll.u32 s9, $0x1;
	s6 =	sadd.s32 s7, s19  }
0x9f: {  	s10 =	simm.s32 $0x0;
	s20 =	sshll.u32 s8, $0x1;
	s8 =	sadd.s32 s21, s6  }
0xa0: {  	[timem:s10], [sflag:s22] =	dma.local [hbm:s8], s20  }
0xa1: {  	_ =	swait.ge [sflag:s22], s20  }
0xa2: {  	s7 =	ssub.s32 $0x0, s20;
	[sflag:s22] =	ssyncset.done $0x0  }
0xa3: {  	[sflag:s22] =	ssyncadd.s32 s7;
	_ =	sdelay $0x1  }
0xa4: {  	s23 =	simm.s32 $0x1B8B  }
0xa5: {  	_ =	swait.ge [sflag:s23], $0x1  }
0xa6: {  	[sflag:s23] =	ssyncset.done $0x0  }
0xa7: {  	s25 =	simm.s32 $0x1B8E;
	s24 =	sld [smem:$0x3FFE];
	[sflag:s23] =	ssyncadd.s32 $0xFFFFFFFF  }
0xa8: {  	s26 =	simm.s32 $execute0_lowered;
	[smem:$0x3FD2] =	sst s25  }
0xa9: {  	s8 =	sshll.u32 s26, $0x1;
	_ =	strace $0x80000046;
	[dreg:$0x1] =	wrdreg $0xFFFFFFFF  }
0xaa: {  	s28 =	simm.s32 $_size_execute0_lowered;
	s6 =	sadd.s32 s6, s8;
	[dreg:$0x0] =	wrdreg $0x0  }
0xab: {  	s8 =	sshll.u32 s28, $0x1;
	[dreg:$0x2] =	wrdreg s6  }
0xac: {  	[dreg:$0x3] =	wrdreg s8  }
0xad: {  	[dreg:$0x4] =	wrdreg $0xC0  }
0xae: {  	_ =	task [dreg:s10], $0x5FFFF  }
0xaf: {  	[dreg:$0x1] =	wrdreg $0xFFFFFFFF  }
0xb0: {  	[dreg:$0x0] =	wrdreg $0x60  }
0xb1: {  	[dreg:$0x2] =	wrdreg s24  }
0xb2: {  	[dreg:$0x3] =	wrdreg s5  }
0xb3: {  	[dreg:$0x4] =	wrdreg s4  }
0xb4: {  	[dreg:$0x5] =	wrdreg s2  }
0xb5: {  	[dreg:$0x6] =	wrdreg s18  }
0xb6: {  	[dreg:$0x7] =	wrdreg $0x9  }
0xb7: {  	_ =	task.clear_ibuf [dreg:s10], $0x8FFFF;
	_ =	strace $0x90000046  }
0xb8: {  	s29 =	simm.s32 $0x9;
	_ =	strace $0x80000048  }
0xb9: {  	_ =	swait.ge [sflag:s29], $0x1  }
0xba: {  	[sflag:s29] =	ssyncadd.s32 $0xFFFFFFFF  }
0xbb: {  	_ =	strace $0x90000048  }
0xbc: {  	_ =	sfence  }
0xbd: {  	s30 =	sld [smem:$0x0];
	_ =	sdelay $0x2  }
0xbe: {  	s31 =	sshll.u32 s1, $0xD;
	s1 =	sshrl.u32 s1, $0x2  }
0xbf: {  	s3 =	sand.u32 $0x4000, s31;
	s1 =	sadd.s32 s1, s30  }
0xc0: {  	s0 =	sor.u32 s3, s0;
	s1 =	sshll.u32 s1, $0x11  }
0xc1: {  	s0 =	sor.u32 s1, s0  }
0xc2: {  	s0 =	sadd.s32 $0x8F2B, s0  }
0xc3: {  	[sflag:s0] =	ssyncadd.remote.s32 $0x1  }
0xc4: {  	_ =	sfence.sel $0xFFFF  }
0xc5: {  	[dreg:$0x0] =	wrdreg $0xFFFFFFFF;
	(pc) =	sbr.abs _section_cstart, $3  }
0xc6: {  	[dreg:$0x1] =	wrdreg $0xFFFFFFFF  }
0xc7: {  	_ =	task.clear_ibuf [dreg:s10], $0x2FFFF;
	_ =	strace $0x9FFFFFFF  }
0xc8: {  	(tm) =	ssettm $0x7FFFFFFF  }
0xc9: {  	_ =	shalt  }
tec
execute0_lowered:
.L_overlay_start_1:
0x0: {  	(tag) =	ssettag $0x1  }
0x1: {  	s6 =	rddreg [dreg:$0x0]  }
0x2: {  	s1 =	rddreg [dreg:$0x1]  }
0x3: {  	s7 =	rddreg [dreg:$0x2]  }
0x4: {  	s8 =	rddreg [dreg:$0x3];
	s2 =	srdreg.scid  }
0x5: {  	s0 =	stileid.u32;
	s9 =	rddreg [dreg:$0x4]  }
0x6: {  	s3 =	simm.s32 $0x0;
	s13 =	simm.s32 $0x2;
	s14 =	simm.s32 $0x2800  }
0x7: {  	s15 =	simm.s32 $0x5000;
	s16 =	simm.s32 $0x5200;
	s17 =	simm.s32 $0x5400  }
0x8: {  	s18 =	simm.s32 $0x5600;
	s19 =	simm.s32 $0x5800;
	s20 =	simm.s32 $0x5A00  }
0x9: {  	s21 =	simm.s32 $0x5C00;
	s22 =	simm.s32 $0xD400;
	s23 =	simm.s32 $0x8400  }
0xa: {  	s24 =	simm.s32 $0xFC00;
	s25 =	simm.s32 $0xAC00;
	s26 =	simm.s32 $0x1  }
0xb: {  	s5 =	sand.u32 $0x1, s2;
	s4 =	sshll.u32 s0, $0x1;
	[smem:$0x7FF] =	sst s3  }
0xc: {  	s28 =	simm.s32 $0x0;
	s10 =	sor.u32 s5, s4;
	_ =	strace $0x80000047  }
0xd: {  	s4 =	sadd.s32 $0x4B200, s6;
	s12 =	ssub.s32 $0x2, s5;
	s11 =	smul.u32 $0x500, s10  }
0xe: {  	s5 =	sadd.s32 $0x63A00, s6;
	s31 =	sshrl.u32 s12, $0x1;
	s10 =	sshll.u32 s10, $0x6  }
0xf: {  	s12 =	ssub.s32 s12, s31;
	s7 =	sadd.s32 s7, s10;
	s11 =	sadd.s32 s11, s6  }
0x10: {  	s8 =	sadd.s32 s8, s10;
	s9 =	sadd.s32 s9, s10;
	s6 =	sadd.s32 $0x41200, s11  }
0x11: {  	s12 =	smax.u32 s12, $0x1;
	s10 =	sadd.s32 $0x1F4A00, s11;
	s11 =	sadd.s32 $0x1EAA00, s11  }
.LBB2_1:
0x12: {  	[tilespmem:s3], [sflag:$0x2] =	stream.linear.gather [hbm4b:s1+s3], $0x2800, $0x38;
	[tilespmem:$0x12400] =	vst v63  }
0x13: {  	_ =	swait.ge [sflag:s13], $0x2800  }
0x14: {  	[sflag:s13] =	ssyncset.done $0x0  }
0x15: {  	[sflag:s13] =	ssyncadd.s32 $0xFFFFD800  }
0x16: {  	[tilespmem:s14], [sflag:$0x2] =	stream.linear.gather [hbm4b:s6+s3], $0x2800, $0x38;
	[tilespmem:$0x12400] =	vst v63  }
0x17: {  	_ =	swait.ge [sflag:s13], $0x2800  }
0x18: {  	[sflag:s13] =	ssyncset.done $0x0  }
0x19: {  	[sflag:s13] =	ssyncadd.s32 $0xFFFFD800  }
0x1a: {  	[tilespmem:s15], [sflag:$0x2] =	stream.linear.gather [hbm4b:s7+s3], $0x200, $0x38;
	[tilespmem:$0x12400] =	vst v63  }
0x1b: {  	_ =	swait.ge [sflag:s13], $0x200  }
0x1c: {  	[sflag:s13] =	ssyncset.done $0x0  }
0x1d: {  	[sflag:s13] =	ssyncadd.s32 $0xFFFFFE00  }
0x1e: {  	[tilespmem:s16], [sflag:$0x2] =	stream.linear.gather [hbm4b:s8+s3], $0x200, $0x38;
	[tilespmem:$0x12400] =	vst v63  }
0x1f: {  	_ =	swait.ge [sflag:s13], $0x200  }
0x20: {  	[sflag:s13] =	ssyncset.done $0x0  }
0x21: {  	[sflag:s13] =	ssyncadd.s32 $0xFFFFFE00  }
0x22: {  	[tilespmem:s17], [sflag:$0x2] =	stream.linear.gather [hbm4b:s9+s3], $0x200, $0x38;
	[tilespmem:$0x12400] =	vst v63  }
0x23: {  	_ =	swait.ge [sflag:s13], $0x200  }
0x24: {  	[sflag:s13] =	ssyncset.done $0x0  }
0x25: {  	s29 =	simm.s32 $0x0;
	[sflag:s13] =	ssyncadd.s32 $0xFFFFFE00  }
0x26: {  	v0 =	vld [tilespmem:s29+$0x5400]  }
0x27: {  	v2 =	vld [tilespmem:s29+$0x5000]  }
0x28: {  	v1 =	vld [tilespmem:s29+$0x5200];
	_ =	sdelay $0x2  }
0x29: {  	v0 =	vshll.u32 v0, $0x3  }
0x2a: {  	s30 =	simm.s32 $0x10;
	v0 =	vadd.s32 v2, v0  }
0x2b: {  	v3 =	vshrl.u32 v2, $0x3;
	v4 =	vshll.u32 v1, $0x3;
	v1 =	vld [tilespmem:s30+$0x5400];
	v0 =	vshrl.u32 v0, $0x3  }
0x2c: {  	v5 =	vadd.s32 v2, v4;
	v2 =	vshll.u32 v2, $0x7;
	v6 =	vmul.u32 $0xC3800, v0;
	v0 =	vld [tilespmem:s30+$0x5000]  }
0x2d: {  	v3 =	vmul.u32 $0xC3800, v3;
	v4 =	vand.u32 $0x380, v2;
	v2 =	vld [tilespmem:s30+$0x5200]  }
0x2e: {  	v5 =	vshrl.u32 v5, $0x3  }
0x2f: {  	s31 =	simm.s32 $0x80;
	v3 =	vor.u32 v4, v3;
	v5 =	vmul.u32 $0xC3800, v5;
	v6 =	vor.u32 v4, v6  }
.LBB2_2:
0x30: {  	s2 =	sshra.s32 s31, $0x2;
	p0 =	sne.s32 s31, $0x7C0;
	s31 =	sadd.s32 $0x40, s31;
	v7 =	vshll.u32 v1, $0x3;
	[tilespmem:s29+$0x5A00] =	vst v6  }
.Ltmp0:
0x31: {  	v1 =	vld [tilespmem:s2+$0x5400];
	v6 =	vadd.s32 v0, v7;
	v7 =	vshrl.u32 v0, $0x3;
	[tilespmem:s29+$0x5600] =	vst v3;
	v3 =	vor.u32 v4, v5;
	v4 =	vmovc v0;
	(pc) =	sbr.rel @p0 .LBB2_2-.Ltmp0, $4  }
0x32: {  	v0 =	vld [tilespmem:s2+$0x5000];
	v5 =	vshll.u32 v2, $0x3;
	v7 =	vmul.u32 $0xC3800, v7;
	v6 =	vshrl.u32 v6, $0x3;
	[tilespmem:s29+$0x5800] =	vst v3;
	s29 =	smov.u32 s30;
	s30 =	smov.u32 s2  }
0x33: {  	v2 =	vld [tilespmem:s30+$0x5200];
	v3 =	vadd.s32 v4, v5;
	v4 =	vshll.u32 v4, $0x7;
	v6 =	vmul.u32 $0xC3800, v6  }
0x34: {  	v4 =	vand.u32 $0x380, v4;
	v5 =	vshrl.u32 v3, $0x3  }
0x35: {  	v3 =	vor.u32 v4, v7;
	v5 =	vmul.u32 $0xC3800, v5;
	v6 =	vor.u32 v4, v6  }
0x36: {  	v1 =	vshll.u32 v1, $0x3  }
0x37: {  	v1 =	vadd.s32 v0, v1;
	v4 =	vor.u32 v4, v5  }
0x38: {  	v5 =	vshrl.u32 v0, $0x3;
	v2 =	vshll.u32 v2, $0x3;
	v1 =	vshrl.u32 v1, $0x3  }
0x39: {  	[tilespmem:s29+$0x5A00] =	vst v6;
	v2 =	vadd.s32 v0, v2;
	v0 =	vshll.u32 v0, $0x7;
	v1 =	vmul.u32 $0xC3800, v1  }
0x3a: {  	[tilespmem:s29+$0x5600] =	vst v3;
	v3 =	vmul.u32 $0xC3800, v5;
	v0 =	vand.u32 $0x380, v0;
	v2 =	vshrl.u32 v2, $0x3  }
0x3b: {  	[tilespmem:s29+$0x5800] =	vst v4;
	v2 =	vmul.u32 $0xC3800, v2;
	v1 =	vor.u32 v0, v1  }
0x3c: {  	v3 =	vor.u32 v0, v3;
	[tilespmem:s30+$0x5A00] =	vst v1  }
0x3d: {  	[tilespmem:s30+$0x5600] =	vst v3;
	v0 =	vor.u32 v0, v2  }
0x3e: {  	[tilespmem:s30+$0x5800] =	vst v0;
	s30 =	simm.s32 $0x0  }
0x3f: {  	v2 =	vld [tilespmem:s30+$0x0];
	_ =	sdelay $0x4  }
0x40: {  	v1 =	vld [tilespmem:s30+$0x2800]  }
0x41: {  	s29 =	simm.s32 $0x10  }
0x42: {  	v0 =	vld [tilespmem:s29+$0x0]  }
0x43: {  	v4 =	vld.idx.msk [tilespmem:v2+s20+$0x0], $0xffff  }
0x44: {  	v5 =	vld.idx.msk [tilespmem:v2+s18+$0x0], $0xffff  }
0x45: {  	v6 =	vshrl.u32 v1, $0x7;
	v3 =	vld.idx.msk [tilespmem:v2+s19+$0x0], $0xffff  }
0x46: {  	s31 =	simm.s32 $0x80;
	v6 =	vmul.u32 $0x380, v6;
	v2 =	vld [tilespmem:s29+$0x2800]  }
.LBB2_4:
0x47: {  	p0 =	sne.s32 s31, $0x9FC0;
	v7 =	vmov v0;
	s2 =	smov.u32 s31;
	s31 =	sadd.s32 $0x40, s31  }
0x48: {  	v0 =	vadd.s32 v1, v6  }
0x49: {  	v6 =	vadd.s32 v0, v4  }
0x4a: {  	v4 =	vadd.s32 v5, v0;
	[tilespmem:s30+$0xAC00] =	vst v6  }
0x4b: {  	s2 =	sshra.s32 s2, $0x2;
	v3 =	vadd.s32 v3, v0;
	v5 =	vshrl.u32 v2, $0x7;
	[tilespmem:s30+$0x5C00] =	vst v4;
	v1 =	vmov v2  }
.Ltmp1:
0x4c: {  	v0 =	vld [tilespmem:s2+$0x0];
	v6 =	vmul.u32 $0x380, v5;
	[tilespmem:s30+$0x8400] =	vst v3;
	s30 =	smov.u32 s29;
	s29 =	smov.u32 s2;
	(pc) =	sbr.rel @p0 .LBB2_4-.Ltmp1, $4  }
0x4d: {  	v4 =	vld.idx.msk [tilespmem:v7+s20+$0x0], $0xffff  }
0x4e: {  	v5 =	vld.idx.msk [tilespmem:v7+s18+$0x0], $0xffff  }
0x4f: {  	v3 =	vld.idx.msk [tilespmem:v7+s19+$0x0], $0xffff  }
0x50: {  	v2 =	vld [tilespmem:s29+$0x2800]  }
0x51: {  	v1 =	vadd.s32 v1, v6  }
0x52: {  	v4 =	vadd.s32 v1, v4  }
0x53: {  	v5 =	vadd.s32 v5, v1;
	[tilespmem:s30+$0xAC00] =	vst v4  }
0x54: {  	[tilespmem:s30+$0x5C00] =	vst v5;
	v1 =	vadd.s32 v3, v1  }
0x55: {  	[tilespmem:s30+$0x8400] =	vst v1  }
0x56: {  	v1 =	vld.idx.msk [tilespmem:v0+s20+$0x0], $0xffff  }
0x57: {  	v3 =	vshrl.u32 v2, $0x7;
	v4 =	vld.idx.msk [tilespmem:v0+s18+$0x0], $0xffff  }
0x58: {  	v3 =	vmul.u32 $0x380, v3;
	v0 =	vld.idx.msk [tilespmem:v0+s19+$0x0], $0xffff;
	_ =	sdelay $0x1  }
0x59: {  	v2 =	vadd.s32 v2, v3  }
0x5a: {  	v1 =	vadd.s32 v2, v1  }
0x5b: {  	v3 =	vadd.s32 v4, v2;
	[tilespmem:s29+$0xAC00] =	vst v1  }
0x5c: {  	v0 =	vadd.s32 v0, v2;
	[tilespmem:s29+$0x5C00] =	vst v3  }
0x5d: {  	[tilespmem:s29+$0x8400] =	vst v0  }
0x5e: {  	[tilespmem:s22], [sflag:$0x1] =	stream.indirect.gather [hbm4b:s4+s14], $0x1, s21, s14, $0xb8;
	[tilespmem:$0x12400] =	vst v63  }
0x5f: {  	_ = 	snop  }
0x60: {  	[tilespmem:s24], [sflag:$0x1] =	stream.indirect.gather [hbm4b:s5+s14], $0x1, s23, s14, $0xb8;
	[tilespmem:$0x12400] =	vst v63  }
0x61: {  	s2 =	simm.s32 $0x0  }
0x62: {  	[hbm4b:s10+s2] =	stream.linear.scatter [tilespmem:s25], [sflag:$0x1], $0x2800, $0x38;
	[tilespmem:$0x12400] =	vst v63  }
0x63: {  	_ =	swait.ge [sflag:s26], $0x2800  }
0x64: {  	[sflag:s26] =	ssyncset.done $0x0  }
0x65: {  	[sflag:s26] =	ssyncadd.s32 $0xFFFFD800  }
0x66: {  	_ =	swait.ge [sflag:s26], $0x2800  }
0x67: {  	[sflag:s26] =	ssyncset.done $0x0  }
0x68: {  	[sflag:s26] =	ssyncadd.s32 $0xFFFFD800  }
0x69: {  	_ =	swait.ge [sflag:s26], $0x2800  }
0x6a: {  	[sflag:s26] =	ssyncset.done $0x0  }
0x6b: {  	s29 =	simm.s32 $0x0;
	[sflag:s26] =	ssyncadd.s32 $0xFFFFD800  }
0x6c: {  	s30 =	simm.s32 $0x40;
	v0 =	vld [tilespmem:s29+$0xFC00]  }
.LBB2_6:
0x6d: {  	p0 =	sne.s32 s30, $0x9FC0;
	v1 =	vld [tilespmem:s29+$0xD400];
	_ =	sdelay $0x2  }
.Ltmp2:
0x6e: {  	(pc) =	sbr.rel @p0 .LBB2_6-.Ltmp2, $4  }
0x6f: {  	_ = 	snop  }
0x70: {  	v1 =	vadd.f32 v0, v1  }
0x71: {  	s2 =	sshra.s32 s30, $0x2  }
0x72: {  	s30 =	sadd.s32 $0x40, s30;
	v0 =	vld [tilespmem:s2+$0xFC00];
	[tilespmem:s29+$0xD400] =	vst v1;
	s29 =	smov.u32 s2  }
0x73: {  	v1 =	vld [tilespmem:s29+$0xD400];
	_ =	sdelay $0x4  }
0x74: {  	s28 =	sadd.s32 $0x1, s28;
	v0 =	vadd.f32 v0, v1  }
0x75: {  	p0 =	sne.s32 s28, s12  }
.Ltmp3:
0x76: {  	[tilespmem:s29+$0xD400] =	vst v0;
	(pc) =	sbr.rel @p0 .LBB2_1-.Ltmp3, $4  }
0x77: {  	[hbm4b:s11+s3] =	stream.linear.scatter [tilespmem:s22], [sflag:$0x2], $0x2800, $0x38;
	[tilespmem:$0x12400] =	vst v63  }
0x78: {  	_ =	swait.ge [sflag:s13], $0x2800  }
0x79: {  	[sflag:s13] =	ssyncset.done $0x0  }
0x7a: {  	[sflag:s13] =	ssyncadd.s32 $0xFFFFD800  }
0x7b: {  	_ =	sfence.sel $0x180000  }
0x7c: {  	[bflag:$0x0] =	sbarrier.arrive $0xFFFF  }
0x7d: {  	_ =	strace $0x90000047  }
0x7e: {  	[bflag:$0x2] =	sbarrier.arrive $0xFFFF  }
0x7f: {  	p0 =	sne.s32 s0, $0x0;
	s0 =	rddreg [dreg:$0x5]  }
0x80: {  	s0 =	sadd.s32 @!p0 $0x100000, s0  }
0x81: {  	[sflag:s0] =	ssyncadd.tile.s32 @!p0 $0x1;
	_ =	shalt  }
.Lfunc_end2:
_tile_overlayer_lowered:
.L_overlay_start_2:
0x82: {  	(tag) =	ssettag $0x2  }
0x83: {  	s0 =	rddreg [dreg:$0x0];
	s2 =	stileid.u32  }
0x84: {  	s1 =	rddreg [dreg:$0x1];
	p0 =	sne.s32 s2, $0x0  }
0x85: {  	s3 =	rddreg [dreg:$0x2];
	[bflag:$0x3] =	sbarrier.arrive $0xFFFF;
	s2 =	simm.s32 @!p0 $0x1C02  }
0x86: {  	[timem:s3], [sflag:s2] =	dma.local @!p0 [hbm:s0], s1  }
0x87: {  	s0 =	simm.s32 @!p0 $0x2  }
0x88: {  	_ =	swait.ge @!p0 [sflag:s0], s1  }
0x89: {  	s1 =	ssub.s32 @!p0 $0x0, s1;
	[sflag:s0] =	ssyncset.done @!p0 $0x0  }
0x8a: {  	[sflag:s0] =	ssyncadd.s32 @!p0 s1  }
0x8b: {  	[bflag:$0x3] =	sbarrier.arrive $0xFFFF  }
0x8c: {  	_ =	shalt  }

// kernel: kernel.8.cloned.1.call-start
scs
__scs_entry_jumppad:
0x0: {  	(pc) =	sbr.rel $0x88, $3  }
0x1: {  	(tag) =	ssettag $0x0;
	lr =	simm.s32 $0x1  }
0x2: {  	[smem:$0x3F99] =	sst lr;
	_ =	strace $0xD0000000  }
0x3: {  	_ = 	snop  }
0x4: {  	_ = 	snop  }
0x5: {  	_ = 	snop  }
0x6: {  	_ = 	snop  }
0x7: {  	_ = 	snop  }
__scs_overlays_trampoline_lowered:
0x8: {  	[smem:$0x3FA8] =	sst s0  }
0x9: {  	[smem:$0x3FA9] =	sst s1  }
0xa: {  	[smem:$0x3FAA] =	sst s2  }
0xb: {  	[smem:$0x3FAB] =	sst s3  }
0xc: {  	[smem:$0x3FAC] =	sst s4  }
0xd: {  	[smem:$0x3FAD] =	sst s5  }
0xe: {  	[smem:$0x3FAE] =	sst s6  }
0xf: {  	[smem:$0x3FAF] =	sst s7  }
0x10: {  	[smem:$0x3FB0] =	sst s8  }
0x11: {  	[smem:$0x3FB1] =	sst s9;
	s0 =	simm.s32 @!p0 $0x0  }
0x12: {  	s1 =	sld [smem:$0x3F97];
	s0 =	simm.s32 @p0 $0x1  }
0x13: {  	[smem:$0x3FB2] =	sst s0;
	s0 =	simm.s32 @!p1 $0x0  }
0x14: {  	s2 =	sld [smem:$0x3F96];
	s0 =	simm.s32 @p1 $0x1  }
0x15: {  	[smem:$0x3FB3] =	sst s0;
	s0 =	simm.s32 @!p2 $0x0  }
0x16: {  	s3 =	sld [smem:$0x3FDB];
	s0 =	simm.s32 @p2 $0x1  }
0x17: {  	s4 =	simm.s32 $0x1BF5;
	[smem:$0x3FB5] =	sst s0  }
0x18: {  	s0 =	sld [smem:$0x3F98];
	_ =	swait.ge [sflag:s4], $0x0  }
0x19: {  	s7 =	sld [smem:$0x3F99]  }
0x1a: {  	s8 =	sadd.s32 $0xFFFFE003, lr  }
0x1b: {  	s9 =	sadd.s32 $0xFFFFFEF7, lr;
	s5 =	simm.s32 $0xFFFFFFFF;
	p2 =	slt.u32 s8, $0xFFFFF086  }
0x1c: {  	p1 =	slt.u32 s9, $0xF7A;
	s5 =	simm.s32 @!p2 $0x0  }
0x1d: {  	s5 =	simm.s32 @p1 $0x1;
	p0 =	seq.s32 s7, s2  }
0x1e: {  	s7 =	smul.u32 @!p0 $0xF7A, s2;
	p2 =	seq.s32 @!p0 s5, $0x0  }
0x1f: {  	s9 =	smul.u32 $0xF7A, s1;
	s8 =	simm.s32 @!p0 $0x1BF5;
	p2 =	por !p2, p0  }
0x20: {  	[sflag:s8] =	ssyncset.s32 @!p0 $0xFFFFF086;
	s6 =	sadd.s32 @!p0 s3, s7;
	s7 =	simm.s32 @!p0 $0x108  }
0x21: {  	s3 =	sadd.s32 s3, s9;
	s6 =	sadd.s32 @!p0 $0x88, s6;
	s7 =	simm.s32 @p2 $0x1082  }
0x22: {  	[simem:s7], [sflag:s8] =	dma.local @!p0 [hbm:s6], $0xF7A  }
0x23: {  	s9 =	sor.u32 $0xD0000000, s2;
	s6 =	simm.s32 $0x108;
	_ =	swait.ge @!p0 [sflag:s8], $0x0  }
0x24: {  	s3 =	sadd.s32 $0x88, s3;
	s6 =	simm.s32 @!p1 $0x1082;
	[sflag:s4] =	ssyncset.s32 $0xFFFFF086  }
0x25: {  	[simem:s6], [sflag:s4] =	dma.local [hbm:s3], $0xF7A  }
0x26: {  	[smem:$0x3F99] =	sst s1;
	(tag) =	ssettag s2;
	_ =	strace s9  }
0x27: {  	s1 =	sld [smem:$0x3FA9]  }
0x28: {  	s2 =	sld [smem:$0x3FAA]  }
0x29: {  	s4 =	sld [smem:$0x3FAC]  }
0x2a: {  	p0 =	seq.s32 s5, $0x0;
	s5 =	sld [smem:$0x3FAD]  }
0x2b: {  	s6 =	sld [smem:$0x3FAE]  }
0x2c: {  	s7 =	sld [smem:$0x3FAF]  }
0x2d: {  	s3 =	simm.s32 $0x108;
	s8 =	sld [smem:$0x3FB0]  }
0x2e: {  	s3 =	simm.s32 @!p0 $0x1082;
	s9 =	sld [smem:$0x3FB1]  }
0x2f: {  	lr =	sadd.s32 s0, s3;
	s0 =	sld [smem:$0x3FA8]  }
0x30: {  	s3 =	sld [smem:$0x3FAB]  }
0x31: {  	[smem:$0x3FB4] =	sst s10  }
0x32: {  	s10 =	sld [smem:$0x3FB2];
	_ =	sdelay $0x3  }
0x33: {  	p0 =	seq.s32 s10, $0x1;
	s10 =	sld [smem:$0x3FB4];
	_ =	sdelay $0x3  }
0x34: {  	[smem:$0x3FB4] =	sst s10  }
0x35: {  	s10 =	sld [smem:$0x3FB3];
	_ =	sdelay $0x3  }
0x36: {  	p1 =	seq.s32 s10, $0x1;
	s10 =	sld [smem:$0x3FB4];
	_ =	sdelay $0x3  }
0x37: {  	[smem:$0x3FB4] =	sst s10  }
0x38: {  	s10 =	sld [smem:$0x3FB5]  }
0x39: {  	_ = 	snop;
	(pc) =	sbr.ind lr, $3  }
0x3a: {  	_ = 	snop  }
0x3b: {  	_ = 	snop  }
0x3c: {  	p2 =	seq.s32 s10, $0x1;
	s10 =	sld [smem:$0x3FB4]  }
0x3d: {  	_ =	shalt  }
0x3e: {  	_ =	shalt  }
0x3f: {  	_ =	shalt  }
0x40: {  	_ =	shalt  }
0x41: {  	_ =	shalt  }
0x42: {  	_ =	shalt  }
0x43: {  	_ =	shalt  }
0x44: {  	_ =	shalt  }
0x45: {  	_ =	shalt  }
0x46: {  	_ =	shalt  }
0x47: {  	_ =	shalt  }
0x48: {  	_ =	shalt  }
0x49: {  	_ =	shalt  }
0x4a: {  	_ =	shalt  }
0x4b: {  	_ =	shalt  }
0x4c: {  	_ =	shalt  }
0x4d: {  	_ =	shalt  }
0x4e: {  	_ =	shalt  }
0x4f: {  	_ =	shalt  }
0x50: {  	_ =	shalt  }
0x51: {  	_ =	shalt  }
0x52: {  	_ =	shalt  }
0x53: {  	_ =	shalt  }
0x54: {  	_ =	shalt  }
0x55: {  	_ =	shalt  }
0x56: {  	_ =	shalt  }
0x57: {  	_ =	shalt  }
0x58: {  	_ =	shalt  }
0x59: {  	_ =	shalt  }
0x5a: {  	_ =	shalt  }
0x5b: {  	_ =	shalt  }
0x5c: {  	_ =	shalt  }
0x5d: {  	_ =	shalt  }
0x5e: {  	_ =	shalt  }
0x5f: {  	_ =	shalt  }
0x60: {  	_ =	shalt  }
0x61: {  	_ =	shalt  }
0x62: {  	_ =	shalt  }
0x63: {  	_ =	shalt  }
0x64: {  	_ =	shalt  }
0x65: {  	_ =	shalt  }
0x66: {  	_ =	shalt  }
0x67: {  	_ =	shalt  }
0x68: {  	_ =	shalt  }
0x69: {  	_ =	shalt  }
0x6a: {  	_ =	shalt  }
0x6b: {  	_ =	shalt  }
0x6c: {  	_ =	shalt  }
0x6d: {  	_ =	shalt  }
0x6e: {  	_ =	shalt  }
0x6f: {  	_ =	shalt  }
0x70: {  	_ =	shalt  }
0x71: {  	_ =	shalt  }
0x72: {  	_ =	shalt  }
0x73: {  	_ =	shalt  }
0x74: {  	_ =	shalt  }
0x75: {  	_ =	shalt  }
0x76: {  	_ =	shalt  }
0x77: {  	_ =	shalt  }
0x78: {  	_ =	shalt  }
0x79: {  	_ =	shalt  }
0x7a: {  	_ =	shalt  }
0x7b: {  	_ =	shalt  }
0x7c: {  	_ =	shalt  }
0x7d: {  	_ =	shalt  }
0x7e: {  	_ =	shalt  }
0x7f: {  	_ =	shalt  }
0x80: {  	_ =	shalt  }
0x81: {  	_ =	shalt  }
0x82: {  	_ =	shalt  }
0x83: {  	_ =	shalt  }
0x84: {  	_ =	shalt  }
0x85: {  	_ =	shalt  }
0x86: {  	_ =	shalt  }
0x87: {  	_ =	shalt  }
.Lfunc_end0:
.L_simem_size_0:
called_computation.1_lowered:
.L_overlay_start_0:
0x88: {  	s2 =	sld [smem:$0x3FD9]  }
0x89: {  	s3 =	sld [smem:$0x3FFE];
	_ =	sdelay $0x1  }
0x8a: {  	s1 =	srdreg.scid  }
0x8b: {  	s0 =	sand.u32 $0x1, s1  }
0x8c: {  	s16 =	sshll.u32 s0, $0xA;
	s2 =	sadd.s32 s3, s2  }
0x8d: {  	s2 =	sadd.s32 s2, s16  }
0x8e: {  	[smem:$0x3FC0] =	sst s2  }
0x8f: {  	_ = 	snop  }
0x90: {  	(tm) =	ssettm $0x1  }
0x91: {  	s17 =	sld [smem:$0x3FFB];
	_ =	sdelay $0x3  }
0x92: {  	_ =	strace s17  }
0x93: {  	s2 =	sld [smem:$0x3FFC];
	_ =	sdelay $0x3  }
0x94: {  	_ =	strace s2  }
0x95: {  	s2 =	sld [smem:$0x3FFD];
	_ =	sdelay $0x3  }
0x96: {  	_ =	strace s2  }
0x97: {  	_ =	strace $0x8FFFFFFF  }
0x98: {  	s18 =	sld [smem:$0x3FDB];
	_ =	sdelay $0x1  }
0x99: {  	s19 =	simm.s32 $_scs_section_size  }
0x9a: {  	s4 =	simm.s32 $_size__tile_overlayer_lowered;
	s5 =	simm.s32 $_tile_overlayer_lowered  }
0x9b: {  	s22 =	simm.s32 $0x1BFF;
	s21 =	sshll.u32 s5, $0x1;
	s2 =	sadd.s32 s19, s18  }
0x9c: {  	s6 =	simm.s32 $0x0;
	s20 =	sshll.u32 s4, $0x1;
	s4 =	sadd.s32 s21, s2  }
0x9d: {  	[timem:s6], [sflag:s22] =	dma.local [hbm:s4], s20  }
0x9e: {  	_ =	swait.ge [sflag:s22], s20  }
0x9f: {  	s3 =	ssub.s32 $0x0, s20;
	[sflag:s22] =	ssyncset.done $0x0  }
0xa0: {  	[sflag:s22] =	ssyncadd.s32 s3;
	_ =	sdelay $0x1  }
0xa1: {  	s23 =	simm.s32 $0x1B8B  }
0xa2: {  	_ =	swait.ge [sflag:s23], $0x1  }
0xa3: {  	[sflag:s23] =	ssyncset.done $0x0  }
0xa4: {  	s25 =	simm.s32 $0x1B8E;
	s24 =	sld [smem:$0x3FFE];
	[sflag:s23] =	ssyncadd.s32 $0xFFFFFFFF  }
0xa5: {  	s26 =	simm.s32 $execute0_lowered;
	[smem:$0x3FD2] =	sst s25  }
0xa6: {  	s4 =	sshll.u32 s26, $0x1;
	_ =	strace $0x80000049;
	[dreg:$0x1] =	wrdreg $0xFFFFFFFF  }
0xa7: {  	s28 =	simm.s32 $_size_execute0_lowered;
	s2 =	sadd.s32 s2, s4;
	[dreg:$0x0] =	wrdreg $0x0  }
0xa8: {  	s4 =	sshll.u32 s28, $0x1;
	[dreg:$0x2] =	wrdreg s2  }
0xa9: {  	[dreg:$0x3] =	wrdreg s4  }
0xaa: {  	[dreg:$0x4] =	wrdreg $0xC0  }
0xab: {  	_ =	task [dreg:s6], $0x5FFFF  }
0xac: {  	[dreg:$0x1] =	wrdreg $0xFFFFFFFF  }
0xad: {  	[dreg:$0x0] =	wrdreg $0x60  }
0xae: {  	[dreg:$0x2] =	wrdreg s24  }
0xaf: {  	[dreg:$0x3] =	wrdreg $0x9  }
0xb0: {  	_ =	task.clear_ibuf [dreg:s6], $0x4FFFF;
	_ =	strace $0x90000049  }
0xb1: {  	s29 =	simm.s32 $0x9;
	_ =	strace $0x8000004B  }
0xb2: {  	_ =	swait.ge [sflag:s29], $0x1  }
0xb3: {  	[sflag:s29] =	ssyncadd.s32 $0xFFFFFFFF  }
0xb4: {  	_ =	strace $0x9000004B  }
0xb5: {  	_ =	sfence  }
0xb6: {  	s30 =	sld [smem:$0x0];
	_ =	sdelay $0x2  }
0xb7: {  	s31 =	sshll.u32 s1, $0xD;
	s1 =	sshrl.u32 s1, $0x2  }
0xb8: {  	s3 =	sand.u32 $0x4000, s31;
	s1 =	sadd.s32 s1, s30  }
0xb9: {  	s0 =	sor.u32 s3, s0;
	s1 =	sshll.u32 s1, $0x11  }
0xba: {  	s0 =	sor.u32 s1, s0  }
0xbb: {  	s0 =	sadd.s32 $0x8F2B, s0  }
0xbc: {  	[sflag:s0] =	ssyncadd.remote.s32 $0x1  }
0xbd: {  	_ =	sfence.sel $0xFFFF  }
0xbe: {  	[dreg:$0x0] =	wrdreg $0xFFFFFFFF;
	(pc) =	sbr.abs _section_cstart, $3  }
0xbf: {  	[dreg:$0x1] =	wrdreg $0xFFFFFFFF  }
0xc0: {  	_ =	task.clear_ibuf [dreg:s6], $0x2FFFF;
	_ =	strace $0x9FFFFFFF  }
0xc1: {  	(tm) =	ssettm $0x7FFFFFFF  }
tec
execute0_lowered:
.L_overlay_start_1:
0x0: {  	(tag) =	ssettag $0x1  }
0x1: {  	s1 =	srdreg.scid  }
0x2: {  	s0 =	stileid.u32;
	s4 =	rddreg [dreg:$0x0];
	s2 =	simm.s32 $0x0  }
0x3: {  	s8 =	simm.s32 $0x2;
	s3 =	sand.u32 $0x1, s1;
	s30 =	sshll.u32 s0, $0x1  }
0x4: {  	s9 =	simm.s32 $0x2800;
	s10 =	simm.s32 $0x5000;
	s5 =	sor.u32 s3, s30  }
0x5: {  	s11 =	simm.s32 $0x1;
	s1 =	rddreg [dreg:$0x1];
	s5 =	smul.u32 $0x500, s5  }
0x6: {  	s12 =	simm.s32 $0x0;
	[smem:$0x7FF] =	sst s2;
	s31 =	ssub.s32 $0x2, s3  }
0x7: {  	_ =	strace $0x8000004A;
	s7 =	sshrl.u32 s31, $0x1;
	s6 =	sadd.s32 s5, s4  }
0x8: {  	s3 =	sadd.s32 $0x1FEA00, s4;
	s7 =	ssub.s32 s31, s7;
	s4 =	sadd.s32 $0x1F4A00, s6  }
0x9: {  	s7 =	smax.u32 s7, $0x1;
	s5 =	sadd.s32 $0x1EAA00, s6;
	s6 =	sadd.s32 $0x41200, s6  }
.LBB2_1:
0xa: {  	[tilespmem:s2], [sflag:$0x2] =	stream.linear.gather [hbm4b:s4+s2], $0x2800, $0x38;
	[tilespmem:$0x7800] =	vst v63  }
0xb: {  	_ =	swait.ge [sflag:s8], $0x2800  }
0xc: {  	[sflag:s8] =	ssyncset.done $0x0  }
0xd: {  	[sflag:s8] =	ssyncadd.s32 $0xFFFFD800  }
0xe: {  	[tilespmem:s10], [sflag:$0x1] =	stream.indirect.gather [hbm4b:s3+s9], $0x1, s2, s9, $0xb8;
	[tilespmem:$0x7800] =	vst v63  }
0xf: {  	_ = 	snop  }
0x10: {  	[tilespmem:s9], [sflag:$0x1] =	stream.linear.gather [hbm4b:s5+s2], $0x2800, $0x38;
	[tilespmem:$0x7800] =	vst v63  }
0x11: {  	_ =	swait.ge [sflag:s11], $0x2800  }
0x12: {  	[sflag:s11] =	ssyncset.done $0x0  }
0x13: {  	[sflag:s11] =	ssyncadd.s32 $0xFFFFD800  }
0x14: {  	_ =	swait.ge [sflag:s11], $0x2800  }
0x15: {  	[sflag:s11] =	ssyncset.done $0x0  }
0x16: {  	s13 =	simm.s32 $0x0;
	[sflag:s11] =	ssyncadd.s32 $0xFFFFD800  }
0x17: {  	s14 =	simm.s32 $0x40;
	v0 =	vld [tilespmem:s13+$0x5000]  }
.LBB2_2:
0x18: {  	p0 =	sne.s32 s14, $0x9FC0;
	v1 =	vld [tilespmem:s13+$0x2800];
	_ =	sdelay $0x2  }
.Ltmp0:
0x19: {  	(pc) =	sbr.rel @p0 .LBB2_2-.Ltmp0, $4  }
0x1a: {  	_ = 	snop  }
0x1b: {  	v1 =	vadd.f32 v0, v1  }
0x1c: {  	s15 =	sshra.s32 s14, $0x2  }
0x1d: {  	s14 =	sadd.s32 $0x40, s14;
	v0 =	vld [tilespmem:s15+$0x5000];
	[tilespmem:s13+$0x2800] =	vst v1;
	s13 =	smov.u32 s15  }
0x1e: {  	v1 =	vld [tilespmem:s13+$0x2800];
	_ =	sdelay $0x4  }
0x1f: {  	s12 =	sadd.s32 $0x1, s12;
	v0 =	vadd.f32 v0, v1  }
0x20: {  	p0 =	sne.s32 s12, s7  }
.Ltmp1:
0x21: {  	[tilespmem:s13+$0x2800] =	vst v0;
	(pc) =	sbr.rel @p0 .LBB2_1-.Ltmp1, $4  }
0x22: {  	[hbm4b:s6+s2] =	stream.linear.scatter [tilespmem:s9], [sflag:$0x2], $0x2800, $0x38;
	[tilespmem:$0x7800] =	vst v63  }
0x23: {  	_ =	swait.ge [sflag:s8], $0x2800  }
0x24: {  	[sflag:s8] =	ssyncset.done $0x0  }
0x25: {  	[sflag:s8] =	ssyncadd.s32 $0xFFFFD800  }
0x26: {  	_ =	sfence.sel $0x180000  }
0x27: {  	[bflag:$0x0] =	sbarrier.arrive $0xFFFF  }
0x28: {  	p0 =	sne.s32 s0, $0x0;
	_ =	strace $0x9000004A  }
0x29: {  	s0 =	sadd.s32 @!p0 $0x100000, s1;
	[bflag:$0x2] =	sbarrier.arrive $0xFFFF  }
0x2a: {  	[sflag:s0] =	ssyncadd.tile.s32 @!p0 $0x1;
	_ =	shalt  }
.Lfunc_end2:
_tile_overlayer_lowered:
.L_overlay_start_2:
0x2b: {  	(tag) =	ssettag $0x2  }
0x2c: {  	s0 =	rddreg [dreg:$0x0];
	s2 =	stileid.u32  }
0x2d: {  	s1 =	rddreg [dreg:$0x1];
	p0 =	sne.s32 s2, $0x0  }
0x2e: {  	s3 =	rddreg [dreg:$0x2];
	[bflag:$0x3] =	sbarrier.arrive $0xFFFF;
	s2 =	simm.s32 @!p0 $0x1C02  }
0x2f: {  	[timem:s3], [sflag:s2] =	dma.local @!p0 [hbm:s0], s1  }
0x30: {  	s0 =	simm.s32 @!p0 $0x2  }
0x31: {  	_ =	swait.ge @!p0 [sflag:s0], s1  }
0x32: {  	s1 =	ssub.s32 @!p0 $0x0, s1;
	[sflag:s0] =	ssyncset.done @!p0 $0x0  }
0x33: {  	[sflag:s0] =	ssyncadd.s32 @!p0 s1  }
0x34: {  	[bflag:$0x3] =	sbarrier.arrive $0xFFFF  }
0x35: {  	_ =	shalt  }

</sc_bundles>
